<compile_context>
chip_gen: v7x
topology: tpu7x:2x2x1
jax: 0.10.2.dev20260603
libtpu: 0.0.44.dev20260713+nightly
codegen_flags: <defaults>
</compile_context>

<pallas_src>
import functools

import jax
import jax.numpy as jnp
from jax import lax
from jax.experimental import pallas as pl
from jax.experimental.pallas import tpu as pltpu
from jax.experimental.pallas import tpu_sc as plsc

N_NODES = 10000
N_EDGES = 320000
D = 128

NC = 2
NS = 16
NW = NC * NS
EPT = N_EDGES // NW
CH = 80
NSTEP = EPT // CH
N_PAD = CH * D
RPT = N_PAD // NS
DEPTH = 3


def _sc_body(compute_deg, x_hbm, src_hbm, dst_hbm, *refs):
    acc_hbm = refs[0]
    rest = refs[1:]
    acc_sh = rest[0]
    rows = rest[1:1 + DEPTH]
    sall = rest[1 + DEPTH]
    didx = rest[2 + DEPTH:2 + 2 * DEPTH]
    zbuf = rest[2 + 2 * DEPTH]
    gsem = rest[3 + 2 * DEPTH:3 + 3 * DEPTH]
    dsem = rest[3 + 3 * DEPTH:3 + 4 * DEPTH]

    c = lax.axis_index("c")
    s = lax.axis_index("s")
    wid = s * NC + c
    ebase = wid * EPT
    rbase = s * RPT

    def _zero_buf(buf):
        @pl.loop(0, CH)
        def _z(i):
            for j in range(D // 16):
                buf[i, pl.ds(j * 16, 16)] = jnp.zeros((16,), jnp.float32)

    if compute_deg:
        _zero_buf(rows[0])
        pltpu.sync_copy(dst_hbm.at[pl.ds(ebase, EPT)], sall)
        ones = jnp.ones((16,), jnp.float32)

        @pl.loop(0, EPT // 16)
        def _deg(i):
            idx = sall[pl.ds(i * 16, 16)]
            plsc.addupdate_scatter(
                rows[0],
                [lax.shift_right_logical(idx, 7), lax.bitwise_and(idx, 127)],
                ones)

        @pl.loop(0, CH // 16)
        def _ident(k):
            didx[0][pl.ds(k * 16, 16)] = (
                lax.broadcasted_iota(jnp.int32, (16,), 0)
                + (N_NODES + k * 16))

    def _start(i, t):
        pltpu.async_copy(dst_hbm.at[pl.ds(ebase + i * CH, CH)],
                         didx[t], dsem[t])
        pltpu.async_copy(x_hbm.at[sall.at[pl.ds(i * CH, CH)]],
                         rows[t], gsem[t])

    def _finish(t):
        pltpu.make_async_copy(dst_hbm.at[pl.ds(0, CH)], didx[t],
                              dsem[t]).wait()
        pltpu.make_async_copy(x_hbm.at[pl.ds(0, CH)], rows[t],
                              gsem[t]).wait()
        pltpu.sync_copy(rows[t], acc_sh.at[didx[t]], add=True)

    pltpu.sync_copy(src_hbm.at[pl.ds(ebase, EPT)], sall)
    if not compute_deg:
        for t in range(DEPTH):
            _start(t, t)

    @pl.loop(0, CH // 2)
    def _zero_zbuf(i):
        for j in range(D // 16):
            zbuf[i, pl.ds(j * 16, 16)] = jnp.zeros((16,), jnp.float32)

    @pl.loop(0, RPT // (CH // 2))
    def _zero_acc(k):
        pltpu.sync_copy(zbuf, acc_sh.at[pl.ds(rbase + k * (CH // 2), CH // 2)])

    plsc.subcore_barrier()

    if compute_deg:
        pltpu.sync_copy(rows[0], acc_sh.at[didx[0]], add=True)
        for t in range(DEPTH):
            _start(t, t)

    NFULL = (NSTEP - DEPTH) // DEPTH

    @pl.loop(0, NFULL)
    def _edges(j):
        for t in range(DEPTH):
            i = DEPTH * j + t
            _finish(t)
            _start(i + DEPTH, t)

    for i in range(DEPTH * NFULL, NSTEP):
        t = i % DEPTH
        _finish(t)
        if i + DEPTH < NSTEP:
            _start(i + DEPTH, t)

    plsc.subcore_barrier()

    pltpu.sync_copy(acc_sh.at[pl.ds(rbase, RPT)],
                    acc_hbm.at[pl.ds(c * N_PAD + rbase, RPT)])


@functools.lru_cache(maxsize=None)
def _make_sc(compute_deg):
    mesh = plsc.VectorSubcoreMesh(core_axis_name="c", subcore_axis_name="s",
                                  num_cores=NC, num_subcores=NS)
    out_type = [jax.ShapeDtypeStruct((NC * N_PAD, D), jnp.float32)]
    scratch = (
        [pltpu.VMEM_SHARED((N_PAD, D), jnp.float32)]
        + [pltpu.VMEM((CH, D), jnp.float32)] * DEPTH
        + [pltpu.VMEM((EPT,), jnp.int32)]
        + [pltpu.VMEM((CH,), jnp.int32)] * DEPTH
        + [pltpu.VMEM((CH // 2, D), jnp.float32)]
        + [pltpu.SemaphoreType.DMA] * (2 * DEPTH)
    )
    return pl.kernel(functools.partial(_sc_body, compute_deg),
                     out_type=tuple(out_type), mesh=mesh,
                     scratch_types=tuple(scratch),
                     compiler_params=pltpu.CompilerParams(
                         needs_layout_passes=False))


GRID = (1,)


def _mean(acc_ref, deg_ref):
    deg = jnp.sum(deg_ref[...], axis=0)[:N_NODES]
    inv = 1.0 / jnp.maximum(deg, 1.0)
    s = acc_ref[0, :N_NODES] + acc_ref[1, :N_NODES]
    return s * inv[:, None]


def _tc1_body(acc_ref, deg_ref, x_ref, wl_ref, bl_ref, wr_ref, o_ref):
    mean = _mean(acc_ref, deg_ref)
    h = (jnp.dot(mean, wl_ref[...], preferred_element_type=jnp.float32)
         + bl_ref[...]
         + jnp.dot(x_ref[...], wr_ref[...], preferred_element_type=jnp.float32))
    o_ref[...] = jnp.maximum(h, 0.0)


def _tc2_body(acc_ref, deg_ref, h_ref, wl_ref, bl_ref, wr_ref, wc_ref, bc_ref,
              o_ref):
    mean = _mean(acc_ref, deg_ref)
    h = (jnp.dot(mean, wl_ref[...], preferred_element_type=jnp.float32)
         + bl_ref[...]
         + jnp.dot(h_ref[...], wr_ref[...], preferred_element_type=jnp.float32))
    h = jnp.maximum(h, 0.0)
    z = jnp.dot(h, wc_ref[...], preferred_element_type=jnp.float32) + bc_ref[...]
    m = jnp.max(z, axis=1, keepdims=True)
    e = jnp.exp(z - m)
    o_ref[...] = (z - m) - jnp.log(jnp.sum(e, axis=1, keepdims=True))


_acc_spec = pl.BlockSpec((2, N_PAD, D), lambda i: (0, 0, 0))
_deg_spec = pl.BlockSpec((2, N_PAD), lambda i: (0, 0))
_row_spec = pl.BlockSpec((N_NODES, D), lambda i: (0, 0))
_w_spec = pl.BlockSpec((D, D), lambda i: (0, 0))
_b_spec = pl.BlockSpec((1, D), lambda i: (0, 0))

_tc1 = pl.pallas_call(
    _tc1_body, grid=GRID,
    in_specs=[_acc_spec, _deg_spec, _row_spec, _w_spec, _b_spec, _w_spec],
    out_specs=_row_spec,
    out_shape=jax.ShapeDtypeStruct((N_NODES, D), jnp.float32))

_tc2 = pl.pallas_call(
    _tc2_body, grid=GRID,
    in_specs=[_acc_spec, _deg_spec, _row_spec, _w_spec, _b_spec, _w_spec,
              _w_spec, _b_spec],
    out_specs=_row_spec,
    out_shape=jax.ShapeDtypeStruct((N_NODES, D), jnp.float32))


@jax.jit
def kernel(x, edge_index, W1l, b1l, W1r, W2l, b2l, W2r, Wc, bc):
    ei = edge_index.astype(jnp.int32)
    src = ei[0]
    dst = ei[1]
    acc1, = _make_sc(True)(x, src, dst)
    acc1 = acc1.reshape(2, N_PAD, D)
    degp = acc1[:, N_NODES:N_NODES + CH, :].reshape(2, N_PAD)
    h1 = _tc1(acc1, degp, x, W1l.T, b1l.reshape(1, D), W1r.T)
    acc2, = _make_sc(False)(h1, src, dst)
    out = _tc2(acc2.reshape(2, N_PAD, D), degp, h1,
               W2l.T, b2l.reshape(1, D), W2r.T, Wc.T, bc.reshape(1, D))
    return out

# --- scband reference (transcript-rebuilt; emitter-appended) ---
"""Pipeline reference for scband-sagemodel-27152783245335 (READ-ONLY COPY).

The authoritative reference and input builder live on the scoring server;
editing this copy changes nothing except your own understanding.
"""

import jax, jax.numpy as jnp
import numpy as np

N_NODES = 10000
N_EDGES = 320000
D_IN = 128
D_HID = 128
D_OUT = 128


def setup_inputs(seed: int = 0) -> dict:
    key = jax.random.key(seed)
    ks = jax.random.split(key, 12)
    x = jax.random.normal(ks[0], (N_NODES, D_IN), dtype=jnp.float32)
    edge_index = jax.random.randint(ks[1], (2, N_EDGES), 0, N_NODES, dtype=jnp.int64)
    s = 0.05
    W1l = jax.random.normal(ks[2], (D_HID, D_IN), dtype=jnp.float32) * s
    b1l = jnp.zeros((D_HID,), dtype=jnp.float32)
    W1r = jax.random.normal(ks[3], (D_HID, D_IN), dtype=jnp.float32) * s
    W2l = jax.random.normal(ks[4], (D_HID, D_HID), dtype=jnp.float32) * s
    b2l = jnp.zeros((D_HID,), dtype=jnp.float32)
    W2r = jax.random.normal(ks[5], (D_HID, D_HID), dtype=jnp.float32) * s
    Wc = jax.random.normal(ks[6], (D_OUT, D_HID), dtype=jnp.float32) * s
    bc = jnp.zeros((D_OUT,), dtype=jnp.float32)
    return {"x": x, "edge_index": edge_index, "W1l": W1l, "b1l": b1l, "W1r": W1r,
            "W2l": W2l, "b2l": b2l, "W2r": W2r, "Wc": Wc, "bc": bc}


def _sage_conv(x, src, dst, Wl, bl, Wr):
    # PyG SAGEConv (mean aggr): out = lin_l(mean_{j->i} x_j) + lin_r(x_i)
    msgs = jnp.take(x, src, axis=0)
    summed = jax.ops.segment_sum(msgs, dst, num_segments=N_NODES)
    deg = jax.ops.segment_sum(jnp.ones((msgs.shape[0],), dtype=x.dtype), dst, num_segments=N_NODES)
    mean = summed / jnp.clip(deg, 1.0)[:, None]
    return mean @ Wl.T + bl + x @ Wr.T


def reference(x, edge_index, W1l, b1l, W1r, W2l, b2l, W2r, Wc, bc):
    src = edge_index[0]
    dst = edge_index[1]
    h = _sage_conv(x, src, dst, W1l, b1l, W1r)
    h = jax.nn.relu(h)
    h = _sage_conv(h, src, dst, W2l, b2l, W2r)
    h = jax.nn.relu(h)
    # Conv1d with kernel_size=1 over [1, C, N] == pointwise linear per node
    h = h @ Wc.T + bc
    return jax.nn.log_softmax(h, axis=1)

if __name__ == "__main__":
    import jax
    _d = setup_inputs()
    print(jax.jit(kernel)(*tuple(_d.values())))

</pallas_src>

<mosaic_0001>
#map = affine_map<(d0, d1) -> (0, 0)>
#map1 = affine_map<(d0, d1) -> (0)>
module attributes {stable_mosaic.version = 14 : i64} {
  func.func @_sc_body(%arg0: i32, %arg1: i32, %arg2: memref<10000x128xf32, #tpu.memory_space<hbm>>, %arg3: memref<320000xi32, #tpu.memory_space<hbm>>, %arg4: memref<320000xi32, #tpu.memory_space<hbm>>, %arg5: memref<20480x128xf32, #tpu.memory_space<hbm>>, %arg6: memref<10240x128xf32, #tpu.memory_space<vmem_shared>>, %arg7: memref<80x128xf32, #tpu.memory_space<vmem>>, %arg8: memref<80x128xf32, #tpu.memory_space<vmem>>, %arg9: memref<80x128xf32, #tpu.memory_space<vmem>>, %arg10: memref<10000xi32, #tpu.memory_space<vmem>>, %arg11: memref<80xi32, #tpu.memory_space<vmem>>, %arg12: memref<80xi32, #tpu.memory_space<vmem>>, %arg13: memref<80xi32, #tpu.memory_space<vmem>>, %arg14: memref<40x128xf32, #tpu.memory_space<vmem>>, %arg15: memref<!tpu.dma_semaphore, #tpu.memory_space<semaphore_mem>>, %arg16: memref<!tpu.dma_semaphore, #tpu.memory_space<semaphore_mem>>, %arg17: memref<!tpu.dma_semaphore, #tpu.memory_space<semaphore_mem>>, %arg18: memref<!tpu.dma_semaphore, #tpu.memory_space<semaphore_mem>>, %arg19: memref<!tpu.dma_semaphore, #tpu.memory_space<semaphore_mem>>, %arg20: memref<!tpu.dma_semaphore, #tpu.memory_space<semaphore_mem>>) attributes {dimension_semantics = [#tpu.dimension_semantics<core_parallel>, #tpu.dimension_semantics<subcore_parallel>], iteration_bounds = array<i64: 2, 16>, scalar_prefetch = 0 : i64, scratch_operands = 15 : i64, tpu.core_type = #tpu.core_type<sc_vector_subcore>, window_params = [{transform_indices = #map}, {transform_indices = #map1}, {transform_indices = #map1}, {transform_indices = #map}]} {
    %mul3A = arith.constant 2 : i32
    %mul3A_0 = arith.muli %arg1, %mul3A : i32
    %add3A = arith.addi %mul3A_0, %arg0 : i32
    %mul3A_1 = arith.constant 10000 : i32
    %mul3A_2 = arith.muli %add3A, %mul3A_1 : i32
    %mul3A_3 = arith.constant 640 : i32
    %mul3A_4 = arith.muli %arg1, %mul3A_3 : i32
    "tpu.region"() ({
      %run_scoped3A = tpu.sem_alloc : memref<!tpu.dma_semaphore, #tpu.memory_space<semaphore_mem>>
      %dma_start3A_116 = tpu.memref_slice %arg3[%mul3A_2] : memref<320000xi32, #tpu.memory_space<hbm>> -> memref<10000xi32, #tpu.memory_space<hbm>>
      %dma_start3A_117 = tpu.memref_slice %arg3[%mul3A_2] : memref<320000xi32, #tpu.memory_space<hbm>> -> memref<10000xi32, #tpu.memory_space<hbm>>
      tpu.enqueue_dma source(%dma_start3A_117 : memref<10000xi32, #tpu.memory_space<hbm>>) target(%arg10 : memref<10000xi32, #tpu.memory_space<vmem>>) target_semaphore(%run_scoped3A : memref<!tpu.dma_semaphore, #tpu.memory_space<semaphore_mem>>)
      %dma_wait3A_118 = tpu.memref_slice %arg3[%mul3A_2] : memref<320000xi32, #tpu.memory_space<hbm>> -> memref<10000xi32, #tpu.memory_space<hbm>>
      %dma_wait3A_119 = tpu.memref_slice %arg3[%mul3A_2] : memref<320000xi32, #tpu.memory_space<hbm>> -> memref<10000xi32, #tpu.memory_space<hbm>>
      tpu.wait_dma2 semaphore(%run_scoped3A : memref<!tpu.dma_semaphore, #tpu.memory_space<semaphore_mem>>) src(%dma_wait3A_119 : memref<10000xi32, #tpu.memory_space<hbm>>) dst(%arg10 : memref<10000xi32, #tpu.memory_space<vmem>>)
      tpu.yield
    }) : () -> ()
    %add3A_5 = arith.constant 0 : i32
    %add3A_6 = arith.addi %mul3A_2, %add3A_5 : i32
    %dma_start3A = tpu.memref_slice %arg4[%add3A_6] : memref<320000xi32, #tpu.memory_space<hbm>> -> memref<80xi32, #tpu.memory_space<hbm>>
    %dma_start3A_7 = tpu.memref_slice %arg4[%add3A_6] : memref<320000xi32, #tpu.memory_space<hbm>> -> memref<80xi32, #tpu.memory_space<hbm>>
    tpu.enqueue_dma source(%dma_start3A_7 : memref<80xi32, #tpu.memory_space<hbm>>) target(%arg11 : memref<80xi32, #tpu.memory_space<vmem>>) target_semaphore(%arg18 : memref<!tpu.dma_semaphore, #tpu.memory_space<semaphore_mem>>)
    %dma_start3A_8 = arith.constant 0 : i32
    %dma_start3A_9 = tpu.memref_slice %arg10[%dma_start3A_8] : memref<10000xi32, #tpu.memory_space<vmem>> -> memref<80xi32, #tpu.memory_space<vmem>>
    %dma_start3A_10 = arith.constant 0 : i32
    %dma_start3A_11 = arith.constant 0 : i32
    %dma_start3A_12 = tpu.memref_slice %arg2[%dma_start3A_10, %dma_start3A_11] : memref<10000x128xf32, #tpu.memory_space<hbm>> -> memref<10000x128xf32, #tpu.memory_space<hbm>>
    tpu.enqueue_indirect_dma source(%dma_start3A_12 : memref<10000x128xf32, #tpu.memory_space<hbm>>) target(%arg7 : memref<80x128xf32, #tpu.memory_space<vmem>>) offsets(%dma_start3A_9 : memref<80xi32, #tpu.memory_space<vmem>>) semaphore(%arg15 : memref<!tpu.dma_semaphore, #tpu.memory_space<semaphore_mem>>)
    %add3A_13 = arith.constant 80 : i32
    %add3A_14 = arith.addi %mul3A_2, %add3A_13 : i32
    %dma_start3A_15 = tpu.memref_slice %arg4[%add3A_14] : memref<320000xi32, #tpu.memory_space<hbm>> -> memref<80xi32, #tpu.memory_space<hbm>>
    %dma_start3A_16 = tpu.memref_slice %arg4[%add3A_14] : memref<320000xi32, #tpu.memory_space<hbm>> -> memref<80xi32, #tpu.memory_space<hbm>>
    tpu.enqueue_dma source(%dma_start3A_16 : memref<80xi32, #tpu.memory_space<hbm>>) target(%arg12 : memref<80xi32, #tpu.memory_space<vmem>>) target_semaphore(%arg19 : memref<!tpu.dma_semaphore, #tpu.memory_space<semaphore_mem>>)
    %dma_start3A_17 = arith.constant 80 : i32
    %dma_start3A_18 = tpu.memref_slice %arg10[%dma_start3A_17] : memref<10000xi32, #tpu.memory_space<vmem>> -> memref<80xi32, #tpu.memory_space<vmem>>
    %dma_start3A_19 = arith.constant 0 : i32
    %dma_start3A_20 = arith.constant 0 : i32
    %dma_start3A_21 = tpu.memref_slice %arg2[%dma_start3A_19, %dma_start3A_20] : memref<10000x128xf32, #tpu.memory_space<hbm>> -> memref<10000x128xf32, #tpu.memory_space<hbm>>
    tpu.enqueue_indirect_dma source(%dma_start3A_21 : memref<10000x128xf32, #tpu.memory_space<hbm>>) target(%arg8 : memref<80x128xf32, #tpu.memory_space<vmem>>) offsets(%dma_start3A_18 : memref<80xi32, #tpu.memory_space<vmem>>) semaphore(%arg16 : memref<!tpu.dma_semaphore, #tpu.memory_space<semaphore_mem>>)
    %add3A_22 = arith.constant 160 : i32
    %add3A_23 = arith.addi %mul3A_2, %add3A_22 : i32
    %dma_start3A_24 = tpu.memref_slice %arg4[%add3A_23] : memref<320000xi32, #tpu.memory_space<hbm>> -> memref<80xi32, #tpu.memory_space<hbm>>
    %dma_start3A_25 = tpu.memref_slice %arg4[%add3A_23] : memref<320000xi32, #tpu.memory_space<hbm>> -> memref<80xi32, #tpu.memory_space<hbm>>
    tpu.enqueue_dma source(%dma_start3A_25 : memref<80xi32, #tpu.memory_space<hbm>>) target(%arg13 : memref<80xi32, #tpu.memory_space<vmem>>) target_semaphore(%arg20 : memref<!tpu.dma_semaphore, #tpu.memory_space<semaphore_mem>>)
    %dma_start3A_26 = arith.constant 160 : i32
    %dma_start3A_27 = tpu.memref_slice %arg10[%dma_start3A_26] : memref<10000xi32, #tpu.memory_space<vmem>> -> memref<80xi32, #tpu.memory_space<vmem>>
    %dma_start3A_28 = arith.constant 0 : i32
    %dma_start3A_29 = arith.constant 0 : i32
    %dma_start3A_30 = tpu.memref_slice %arg2[%dma_start3A_28, %dma_start3A_29] : memref<10000x128xf32, #tpu.memory_space<hbm>> -> memref<10000x128xf32, #tpu.memory_space<hbm>>
    tpu.enqueue_indirect_dma source(%dma_start3A_30 : memref<10000x128xf32, #tpu.memory_space<hbm>>) target(%arg9 : memref<80x128xf32, #tpu.memory_space<vmem>>) offsets(%dma_start3A_27 : memref<80xi32, #tpu.memory_space<vmem>>) semaphore(%arg17 : memref<!tpu.dma_semaphore, #tpu.memory_space<semaphore_mem>>)
    %scan3A = arith.constant 0 : i32
    %scan3A_31 = arith.constant 40 : i32
    %scan3A_32 = arith.addi %scan3A, %scan3A_31 : i32
    %scan3A_33 = arith.constant 1 : i32
    scf.for %scan3A_116 = %scan3A to %scan3A_32 step %scan3A_33  : i32 {
      %mul3A_117 = arith.constant 1 : i32
      %mul3A_118 = arith.muli %scan3A_116, %mul3A_117 : i32
      %add3A_119 = arith.constant 0 : i32
      %add3A_120 = arith.addi %add3A_119, %mul3A_118 : i32
      %broadcast_in_dim3A = arith.constant 0.000000e+00 : f32
      %broadcast_in_dim3A_121 = vector.broadcast %broadcast_in_dim3A : f32 to vector<16xf32>
      %swap3A = arith.index_cast %add3A_120 : i32 to index
      %swap3A_122 = arith.constant 0 : index
      %swap3A_123 = tpu.vector_load %arg14[%swap3A, %swap3A_122] {strides = array<i32>} : memref<40x128xf32, #tpu.memory_space<vmem>>, vector<16xf32>,
      tpu.vector_store %arg14[%swap3A, %swap3A_122], %broadcast_in_dim3A_121 {strides = array<i32>} : memref<40x128xf32, #tpu.memory_space<vmem>>, vector<16xf32>,
      %broadcast_in_dim3A_124 = arith.constant 0.000000e+00 : f32
      %broadcast_in_dim3A_125 = vector.broadcast %broadcast_in_dim3A_124 : f32 to vector<16xf32>
      %swap3A_126 = arith.index_cast %add3A_120 : i32 to index
      %swap3A_127 = arith.constant 16 : index
      %swap3A_128 = tpu.vector_load %arg14[%swap3A_126, %swap3A_127] {strides = array<i32>} : memref<40x128xf32, #tpu.memory_space<vmem>>, vector<16xf32>,
      tpu.vector_store %arg14[%swap3A_126, %swap3A_127], %broadcast_in_dim3A_125 {strides = array<i32>} : memref<40x128xf32, #tpu.memory_space<vmem>>, vector<16xf32>,
      %broadcast_in_dim3A_129 = arith.constant 0.000000e+00 : f32
      %broadcast_in_dim3A_130 = vector.broadcast %broadcast_in_dim3A_129 : f32 to vector<16xf32>
      %swap3A_131 = arith.index_cast %add3A_120 : i32 to index
      %swap3A_132 = arith.constant 32 : index
      %swap3A_133 = tpu.vector_load %arg14[%swap3A_131, %swap3A_132] {strides = array<i32>} : memref<40x128xf32, #tpu.memory_space<vmem>>, vector<16xf32>,
      tpu.vector_store %arg14[%swap3A_131, %swap3A_132], %broadcast_in_dim3A_130 {strides = array<i32>} : memref<40x128xf32, #tpu.memory_space<vmem>>, vector<16xf32>,
      %broadcast_in_dim3A_134 = arith.constant 0.000000e+00 : f32
      %broadcast_in_dim3A_135 = vector.broadcast %broadcast_in_dim3A_134 : f32 to vector<16xf32>
      %swap3A_136 = arith.index_cast %add3A_120 : i32 to index
      %swap3A_137 = arith.constant 48 : index
      %swap3A_138 = tpu.vector_load %arg14[%swap3A_136, %swap3A_137] {strides = array<i32>} : memref<40x128xf32, #tpu.memory_space<vmem>>, vector<16xf32>,
      tpu.vector_store %arg14[%swap3A_136, %swap3A_137], %broadcast_in_dim3A_135 {strides = array<i32>} : memref<40x128xf32, #tpu.memory_space<vmem>>, vector<16xf32>,
      %broadcast_in_dim3A_139 = arith.constant 0.000000e+00 : f32
      %broadcast_in_dim3A_140 = vector.broadcast %broadcast_in_dim3A_139 : f32 to vector<16xf32>
      %swap3A_141 = arith.index_cast %add3A_120 : i32 to index
      %swap3A_142 = arith.constant 64 : index
      %swap3A_143 = tpu.vector_load %arg14[%swap3A_141, %swap3A_142] {strides = array<i32>} : memref<40x128xf32, #tpu.memory_space<vmem>>, vector<16xf32>,
      tpu.vector_store %arg14[%swap3A_141, %swap3A_142], %broadcast_in_dim3A_140 {strides = array<i32>} : memref<40x128xf32, #tpu.memory_space<vmem>>, vector<16xf32>,
      %broadcast_in_dim3A_144 = arith.constant 0.000000e+00 : f32
      %broadcast_in_dim3A_145 = vector.broadcast %broadcast_in_dim3A_144 : f32 to vector<16xf32>
      %swap3A_146 = arith.index_cast %add3A_120 : i32 to index
      %swap3A_147 = arith.constant 80 : index
      %swap3A_148 = tpu.vector_load %arg14[%swap3A_146, %swap3A_147] {strides = array<i32>} : memref<40x128xf32, #tpu.memory_space<vmem>>, vector<16xf32>,
      tpu.vector_store %arg14[%swap3A_146, %swap3A_147], %broadcast_in_dim3A_145 {strides = array<i32>} : memref<40x128xf32, #tpu.memory_space<vmem>>, vector<16xf32>,
      %broadcast_in_dim3A_149 = arith.constant 0.000000e+00 : f32
      %broadcast_in_dim3A_150 = vector.broadcast %broadcast_in_dim3A_149 : f32 to vector<16xf32>
      %swap3A_151 = arith.index_cast %add3A_120 : i32 to index
      %swap3A_152 = arith.constant 96 : index
      %swap3A_153 = tpu.vector_load %arg14[%swap3A_151, %swap3A_152] {strides = array<i32>} : memref<40x128xf32, #tpu.memory_space<vmem>>, vector<16xf32>,
      tpu.vector_store %arg14[%swap3A_151, %swap3A_152], %broadcast_in_dim3A_150 {strides = array<i32>} : memref<40x128xf32, #tpu.memory_space<vmem>>, vector<16xf32>,
      %broadcast_in_dim3A_154 = arith.constant 0.000000e+00 : f32
      %broadcast_in_dim3A_155 = vector.broadcast %broadcast_in_dim3A_154 : f32 to vector<16xf32>
      %swap3A_156 = arith.index_cast %add3A_120 : i32 to index
      %swap3A_157 = arith.constant 112 : index
      %swap3A_158 = tpu.vector_load %arg14[%swap3A_156, %swap3A_157] {strides = array<i32>} : memref<40x128xf32, #tpu.memory_space<vmem>>, vector<16xf32>,
      tpu.vector_store %arg14[%swap3A_156, %swap3A_157], %broadcast_in_dim3A_155 {strides = array<i32>} : memref<40x128xf32, #tpu.memory_space<vmem>>, vector<16xf32>,
    }
    %scan3A_34 = arith.constant 40 : i32
    %scan3A_35 = arith.constant 0 : i32
    %scan3A_36 = arith.constant 16 : i32
    %scan3A_37 = arith.addi %scan3A_35, %scan3A_36 : i32
    %scan3A_38 = arith.constant 1 : i32
    scf.for %scan3A_116 = %scan3A_35 to %scan3A_37 step %scan3A_38  : i32 {
      %mul3A_117 = arith.constant 1 : i32
      %mul3A_118 = arith.muli %scan3A_116, %mul3A_117 : i32
      %add3A_119 = arith.constant 0 : i32
      %add3A_120 = arith.addi %add3A_119, %mul3A_118 : i32
      %mul3A_121 = arith.constant 40 : i32
      %mul3A_122 = arith.muli %add3A_120, %mul3A_121 : i32
      %add3A_123 = arith.addi %mul3A_4, %mul3A_122 : i32
      "tpu.region"() ({
        %run_scoped3A = tpu.sem_alloc : memref<!tpu.dma_semaphore, #tpu.memory_space<semaphore_mem>>
        %dma_start3A_124 = arith.constant 0 : i32
        %dma_start3A_125 = tpu.memref_slice %arg6[%add3A_123, %dma_start3A_124] : memref<10240x128xf32, #tpu.memory_space<vmem_shared>> -> memref<40x128xf32, #tpu.memory_space<vmem_shared>>
        %dma_start3A_126 = arith.constant 0 : i32
        %dma_start3A_127 = tpu.memref_slice %arg6[%add3A_123, %dma_start3A_126] : memref<10240x128xf32, #tpu.memory_space<vmem_shared>> -> memref<40x128xf32, #tpu.memory_space<vmem_shared>>
        tpu.enqueue_dma source(%arg14 : memref<40x128xf32, #tpu.memory_space<vmem>>) target(%dma_start3A_127 : memref<40x128xf32, #tpu.memory_space<vmem_shared>>) target_semaphore(%run_scoped3A : memref<!tpu.dma_semaphore, #tpu.memory_space<semaphore_mem>>)
        %dma_wait3A_128 = arith.constant 0 : i32
        %dma_wait3A_129 = tpu.memref_slice %arg6[%add3A_123, %dma_wait3A_128] : memref<10240x128xf32, #tpu.memory_space<vmem_shared>> -> memref<40x128xf32, #tpu.memory_space<vmem_shared>>
        %dma_wait3A_130 = arith.constant 0 : i32
        %dma_wait3A_131 = tpu.memref_slice %arg6[%add3A_123, %dma_wait3A_130] : memref<10240x128xf32, #tpu.memory_space<vmem_shared>> -> memref<40x128xf32, #tpu.memory_space<vmem_shared>>
        tpu.wait_dma2 semaphore(%run_scoped3A : memref<!tpu.dma_semaphore, #tpu.memory_space<semaphore_mem>>) src(%arg14 : memref<40x128xf32, #tpu.memory_space<vmem>>) dst(%dma_wait3A_131 : memref<40x128xf32, #tpu.memory_space<vmem_shared>>)
        tpu.yield
      }) : () -> ()
    }
    %scan3A_39 = arith.constant 16 : i32
    %barrier3A = arith.constant 0 : index
    tpu.barrier barrier_id(%barrier3A)
    %scan3A_40 = arith.constant 0 : i32
    %scan3A_41 = arith.constant 40 : i32
    %scan3A_42 = arith.addi %scan3A_40, %scan3A_41 : i32
    %scan3A_43 = arith.constant 1 : i32
    scf.for %scan3A_116 = %scan3A_40 to %scan3A_42 step %scan3A_43  : i32 {
      %mul3A_117 = arith.constant 1 : i32
      %mul3A_118 = arith.muli %scan3A_116, %mul3A_117 : i32
      %add3A_119 = arith.constant 0 : i32
      %add3A_120 = arith.addi %add3A_119, %mul3A_118 : i32
      %mul3A_121 = arith.constant 3 : i32
      %mul3A_122 = arith.muli %mul3A_121, %add3A_120 : i32
      %add3A_123 = arith.constant 0 : i32
      %add3A_124 = arith.addi %mul3A_122, %add3A_123 : i32
      %dma_wait3A_125 = arith.constant 0 : i32
      %dma_wait3A_126 = tpu.memref_slice %arg4[%dma_wait3A_125] : memref<320000xi32, #tpu.memory_space<hbm>> -> memref<80xi32, #tpu.memory_space<hbm>>
      %dma_wait3A_127 = arith.constant 0 : i32
      %dma_wait3A_128 = tpu.memref_slice %arg4[%dma_wait3A_127] : memref<320000xi32, #tpu.memory_space<hbm>> -> memref<80xi32, #tpu.memory_space<hbm>>
      tpu.wait_dma2 semaphore(%arg18 : memref<!tpu.dma_semaphore, #tpu.memory_space<semaphore_mem>>) src(%dma_wait3A_128 : memref<80xi32, #tpu.memory_space<hbm>>) dst(%arg11 : memref<80xi32, #tpu.memory_space<vmem>>)
      %dma_wait3A_129 = arith.constant 0 : i32
      %dma_wait3A_130 = arith.constant 0 : i32
      %dma_wait3A_131 = tpu.memref_slice %arg2[%dma_wait3A_129, %dma_wait3A_130] : memref<10000x128xf32, #tpu.memory_space<hbm>> -> memref<80x128xf32, #tpu.memory_space<hbm>>
      %dma_wait3A_132 = arith.constant 0 : i32
      %dma_wait3A_133 = arith.constant 0 : i32
      %dma_wait3A_134 = tpu.memref_slice %arg2[%dma_wait3A_132, %dma_wait3A_133] : memref<10000x128xf32, #tpu.memory_space<hbm>> -> memref<80x128xf32, #tpu.memory_space<hbm>>
      tpu.wait_dma2 semaphore(%arg15 : memref<!tpu.dma_semaphore, #tpu.memory_space<semaphore_mem>>) src(%dma_wait3A_134 : memref<80x128xf32, #tpu.memory_space<hbm>>) dst(%arg7 : memref<80x128xf32, #tpu.memory_space<vmem>>)
      "tpu.region"() ({
        %run_scoped3A = tpu.sem_alloc : memref<!tpu.dma_semaphore, #tpu.memory_space<semaphore_mem>>
        %dma_start3A_202 = arith.constant 0 : i32
        %dma_start3A_203 = arith.constant 0 : i32
        %dma_start3A_204 = tpu.memref_slice %arg6[%dma_start3A_202, %dma_start3A_203] : memref<10240x128xf32, #tpu.memory_space<vmem_shared>> -> memref<10240x128xf32, #tpu.memory_space<vmem_shared>>
        tpu.enqueue_indirect_dma source(%arg7 : memref<80x128xf32, #tpu.memory_space<vmem>>) target(%dma_start3A_204 : memref<10240x128xf32, #tpu.memory_space<vmem_shared>>) offsets(%arg11 : memref<80xi32, #tpu.memory_space<vmem>>) semaphore(%run_scoped3A : memref<!tpu.dma_semaphore, #tpu.memory_space<semaphore_mem>>) {add = true}
        %dma_wait3A_205 = arith.constant 0 : i32
        %dma_wait3A_206 = arith.constant 0 : i32
        %dma_wait3A_207 = tpu.memref_slice %arg6[%dma_wait3A_205, %dma_wait3A_206] : memref<10240x128xf32, #tpu.memory_space<vmem_shared>> -> memref<10240x128xf32, #tpu.memory_space<vmem_shared>>
        tpu.wait_indirect_dma semaphore(%run_scoped3A : memref<!tpu.dma_semaphore, #tpu.memory_space<semaphore_mem>>) src(%arg7 : memref<80x128xf32, #tpu.memory_space<vmem>>) dst(%dma_wait3A_207 : memref<10240x128xf32, #tpu.memory_space<vmem_shared>>)
        tpu.yield
      }) : () -> ()
      %add3A_135 = arith.constant 3 : i32
      %add3A_136 = arith.addi %add3A_124, %add3A_135 : i32
      %mul3A_137 = arith.constant 80 : i32
      %mul3A_138 = arith.muli %add3A_136, %mul3A_137 : i32
      %add3A_139 = arith.addi %mul3A_2, %mul3A_138 : i32
      %dma_start3A_140 = tpu.memref_slice %arg4[%add3A_139] : memref<320000xi32, #tpu.memory_space<hbm>> -> memref<80xi32, #tpu.memory_space<hbm>>
      %dma_start3A_141 = tpu.memref_slice %arg4[%add3A_139] : memref<320000xi32, #tpu.memory_space<hbm>> -> memref<80xi32, #tpu.memory_space<hbm>>
      tpu.enqueue_dma source(%dma_start3A_141 : memref<80xi32, #tpu.memory_space<hbm>>) target(%arg11 : memref<80xi32, #tpu.memory_space<vmem>>) target_semaphore(%arg18 : memref<!tpu.dma_semaphore, #tpu.memory_space<semaphore_mem>>)
      %mul3A_142 = arith.constant 80 : i32
      %mul3A_143 = arith.muli %add3A_136, %mul3A_142 : i32
      %dma_start3A_144 = tpu.memref_slice %arg10[%mul3A_143] : memref<10000xi32, #tpu.memory_space<vmem>> -> memref<80xi32, #tpu.memory_space<vmem>>
      %dma_start3A_145 = arith.constant 0 : i32
      %dma_start3A_146 = arith.constant 0 : i32
      %dma_start3A_147 = tpu.memref_slice %arg2[%dma_start3A_145, %dma_start3A_146] : memref<10000x128xf32, #tpu.memory_space<hbm>> -> memref<10000x128xf32, #tpu.memory_space<hbm>>
      tpu.enqueue_indirect_dma source(%dma_start3A_147 : memref<10000x128xf32, #tpu.memory_space<hbm>>) target(%arg7 : memref<80x128xf32, #tpu.memory_space<vmem>>) offsets(%dma_start3A_144 : memref<80xi32, #tpu.memory_space<vmem>>) semaphore(%arg15 : memref<!tpu.dma_semaphore, #tpu.memory_space<semaphore_mem>>)
      %mul3A_148 = arith.constant 3 : i32
      %mul3A_149 = arith.muli %mul3A_148, %add3A_120 : i32
      %add3A_150 = arith.constant 1 : i32
      %add3A_151 = arith.addi %mul3A_149, %add3A_150 : i32
      %dma_wait3A_152 = arith.constant 0 : i32
      %dma_wait3A_153 = tpu.memref_slice %arg4[%dma_wait3A_152] : memref<320000xi32, #tpu.memory_space<hbm>> -> memref<80xi32, #tpu.memory_space<hbm>>
      %dma_wait3A_154 = arith.constant 0 : i32
      %dma_wait3A_155 = tpu.memref_slice %arg4[%dma_wait3A_154] : memref<320000xi32, #tpu.memory_space<hbm>> -> memref<80xi32, #tpu.memory_space<hbm>>
      tpu.wait_dma2 semaphore(%arg19 : memref<!tpu.dma_semaphore, #tpu.memory_space<semaphore_mem>>) src(%dma_wait3A_155 : memref<80xi32, #tpu.memory_space<hbm>>) dst(%arg12 : memref<80xi32, #tpu.memory_space<vmem>>)
      %dma_wait3A_156 = arith.constant 0 : i32
      %dma_wait3A_157 = arith.constant 0 : i32
      %dma_wait3A_158 = tpu.memref_slice %arg2[%dma_wait3A_156, %dma_wait3A_157] : memref<10000x128xf32, #tpu.memory_space<hbm>> -> memref<80x128xf32, #tpu.memory_space<hbm>>
      %dma_wait3A_159 = arith.constant 0 : i32
      %dma_wait3A_160 = arith.constant 0 : i32
      %dma_wait3A_161 = tpu.memref_slice %arg2[%dma_wait3A_159, %dma_wait3A_160] : memref<10000x128xf32, #tpu.memory_space<hbm>> -> memref<80x128xf32, #tpu.memory_space<hbm>>
      tpu.wait_dma2 semaphore(%arg16 : memref<!tpu.dma_semaphore, #tpu.memory_space<semaphore_mem>>) src(%dma_wait3A_161 : memref<80x128xf32, #tpu.memory_space<hbm>>) dst(%arg8 : memref<80x128xf32, #tpu.memory_space<vmem>>)
      "tpu.region"() ({
        %run_scoped3A = tpu.sem_alloc : memref<!tpu.dma_semaphore, #tpu.memory_space<semaphore_mem>>
        %dma_start3A_202 = arith.constant 0 : i32
        %dma_start3A_203 = arith.constant 0 : i32
        %dma_start3A_204 = tpu.memref_slice %arg6[%dma_start3A_202, %dma_start3A_203] : memref<10240x128xf32, #tpu.memory_space<vmem_shared>> -> memref<10240x128xf32, #tpu.memory_space<vmem_shared>>
        tpu.enqueue_indirect_dma source(%arg8 : memref<80x128xf32, #tpu.memory_space<vmem>>) target(%dma_start3A_204 : memref<10240x128xf32, #tpu.memory_space<vmem_shared>>) offsets(%arg12 : memref<80xi32, #tpu.memory_space<vmem>>) semaphore(%run_scoped3A : memref<!tpu.dma_semaphore, #tpu.memory_space<semaphore_mem>>) {add = true}
        %dma_wait3A_205 = arith.constant 0 : i32
        %dma_wait3A_206 = arith.constant 0 : i32
        %dma_wait3A_207 = tpu.memref_slice %arg6[%dma_wait3A_205, %dma_wait3A_206] : memref<10240x128xf32, #tpu.memory_space<vmem_shared>> -> memref<10240x128xf32, #tpu.memory_space<vmem_shared>>
        tpu.wait_indirect_dma semaphore(%run_scoped3A : memref<!tpu.dma_semaphore, #tpu.memory_space<semaphore_mem>>) src(%arg8 : memref<80x128xf32, #tpu.memory_space<vmem>>) dst(%dma_wait3A_207 : memref<10240x128xf32, #tpu.memory_space<vmem_shared>>)
        tpu.yield
      }) : () -> ()
      %add3A_162 = arith.constant 3 : i32
      %add3A_163 = arith.addi %add3A_151, %add3A_162 : i32
      %mul3A_164 = arith.constant 80 : i32
      %mul3A_165 = arith.muli %add3A_163, %mul3A_164 : i32
      %add3A_166 = arith.addi %mul3A_2, %mul3A_165 : i32
      %dma_start3A_167 = tpu.memref_slice %arg4[%add3A_166] : memref<320000xi32, #tpu.memory_space<hbm>> -> memref<80xi32, #tpu.memory_space<hbm>>
      %dma_start3A_168 = tpu.memref_slice %arg4[%add3A_166] : memref<320000xi32, #tpu.memory_space<hbm>> -> memref<80xi32, #tpu.memory_space<hbm>>
      tpu.enqueue_dma source(%dma_start3A_168 : memref<80xi32, #tpu.memory_space<hbm>>) target(%arg12 : memref<80xi32, #tpu.memory_space<vmem>>) target_semaphore(%arg19 : memref<!tpu.dma_semaphore, #tpu.memory_space<semaphore_mem>>)
      %mul3A_169 = arith.constant 80 : i32
      %mul3A_170 = arith.muli %add3A_163, %mul3A_169 : i32
      %dma_start3A_171 = tpu.memref_slice %arg10[%mul3A_170] : memref<10000xi32, #tpu.memory_space<vmem>> -> memref<80xi32, #tpu.memory_space<vmem>>
      %dma_start3A_172 = arith.constant 0 : i32
      %dma_start3A_173 = arith.constant 0 : i32
      %dma_start3A_174 = tpu.memref_slice %arg2[%dma_start3A_172, %dma_start3A_173] : memref<10000x128xf32, #tpu.memory_space<hbm>> -> memref<10000x128xf32, #tpu.memory_space<hbm>>
      tpu.enqueue_indirect_dma source(%dma_start3A_174 : memref<10000x128xf32, #tpu.memory_space<hbm>>) target(%arg8 : memref<80x128xf32, #tpu.memory_space<vmem>>) offsets(%dma_start3A_171 : memref<80xi32, #tpu.memory_space<vmem>>) semaphore(%arg16 : memref<!tpu.dma_semaphore, #tpu.memory_space<semaphore_mem>>)
      %mul3A_175 = arith.constant 3 : i32
      %mul3A_176 = arith.muli %mul3A_175, %add3A_120 : i32
      %add3A_177 = arith.constant 2 : i32
      %add3A_178 = arith.addi %mul3A_176, %add3A_177 : i32
      %dma_wait3A_179 = arith.constant 0 : i32
      %dma_wait3A_180 = tpu.memref_slice %arg4[%dma_wait3A_179] : memref<320000xi32, #tpu.memory_space<hbm>> -> memref<80xi32, #tpu.memory_space<hbm>>
      %dma_wait3A_181 = arith.constant 0 : i32
      %dma_wait3A_182 = tpu.memref_slice %arg4[%dma_wait3A_181] : memref<320000xi32, #tpu.memory_space<hbm>> -> memref<80xi32, #tpu.memory_space<hbm>>
      tpu.wait_dma2 semaphore(%arg20 : memref<!tpu.dma_semaphore, #tpu.memory_space<semaphore_mem>>) src(%dma_wait3A_182 : memref<80xi32, #tpu.memory_space<hbm>>) dst(%arg13 : memref<80xi32, #tpu.memory_space<vmem>>)
      %dma_wait3A_183 = arith.constant 0 : i32
      %dma_wait3A_184 = arith.constant 0 : i32
      %dma_wait3A_185 = tpu.memref_slice %arg2[%dma_wait3A_183, %dma_wait3A_184] : memref<10000x128xf32, #tpu.memory_space<hbm>> -> memref<80x128xf32, #tpu.memory_space<hbm>>
      %dma_wait3A_186 = arith.constant 0 : i32
      %dma_wait3A_187 = arith.constant 0 : i32
      %dma_wait3A_188 = tpu.memref_slice %arg2[%dma_wait3A_186, %dma_wait3A_187] : memref<10000x128xf32, #tpu.memory_space<hbm>> -> memref<80x128xf32, #tpu.memory_space<hbm>>
      tpu.wait_dma2 semaphore(%arg17 : memref<!tpu.dma_semaphore, #tpu.memory_space<semaphore_mem>>) src(%dma_wait3A_188 : memref<80x128xf32, #tpu.memory_space<hbm>>) dst(%arg9 : memref<80x128xf32, #tpu.memory_space<vmem>>)
      "tpu.region"() ({
        %run_scoped3A = tpu.sem_alloc : memref<!tpu.dma_semaphore, #tpu.memory_space<semaphore_mem>>
        %dma_start3A_202 = arith.constant 0 : i32
        %dma_start3A_203 = arith.constant 0 : i32
        %dma_start3A_204 = tpu.memref_slice %arg6[%dma_start3A_202, %dma_start3A_203] : memref<10240x128xf32, #tpu.memory_space<vmem_shared>> -> memref<10240x128xf32, #tpu.memory_space<vmem_shared>>
        tpu.enqueue_indirect_dma source(%arg9 : memref<80x128xf32, #tpu.memory_space<vmem>>) target(%dma_start3A_204 : memref<10240x128xf32, #tpu.memory_space<vmem_shared>>) offsets(%arg13 : memref<80xi32, #tpu.memory_space<vmem>>) semaphore(%run_scoped3A : memref<!tpu.dma_semaphore, #tpu.memory_space<semaphore_mem>>) {add = true}
        %dma_wait3A_205 = arith.constant 0 : i32
        %dma_wait3A_206 = arith.constant 0 : i32
        %dma_wait3A_207 = tpu.memref_slice %arg6[%dma_wait3A_205, %dma_wait3A_206] : memref<10240x128xf32, #tpu.memory_space<vmem_shared>> -> memref<10240x128xf32, #tpu.memory_space<vmem_shared>>
        tpu.wait_indirect_dma semaphore(%run_scoped3A : memref<!tpu.dma_semaphore, #tpu.memory_space<semaphore_mem>>) src(%arg9 : memref<80x128xf32, #tpu.memory_space<vmem>>) dst(%dma_wait3A_207 : memref<10240x128xf32, #tpu.memory_space<vmem_shared>>)
        tpu.yield
      }) : () -> ()
      %add3A_189 = arith.constant 3 : i32
      %add3A_190 = arith.addi %add3A_178, %add3A_189 : i32
      %mul3A_191 = arith.constant 80 : i32
      %mul3A_192 = arith.muli %add3A_190, %mul3A_191 : i32
      %add3A_193 = arith.addi %mul3A_2, %mul3A_192 : i32
      %dma_start3A_194 = tpu.memref_slice %arg4[%add3A_193] : memref<320000xi32, #tpu.memory_space<hbm>> -> memref<80xi32, #tpu.memory_space<hbm>>
      %dma_start3A_195 = tpu.memref_slice %arg4[%add3A_193] : memref<320000xi32, #tpu.memory_space<hbm>> -> memref<80xi32, #tpu.memory_space<hbm>>
      tpu.enqueue_dma source(%dma_start3A_195 : memref<80xi32, #tpu.memory_space<hbm>>) target(%arg13 : memref<80xi32, #tpu.memory_space<vmem>>) target_semaphore(%arg20 : memref<!tpu.dma_semaphore, #tpu.memory_space<semaphore_mem>>)
      %mul3A_196 = arith.constant 80 : i32
      %mul3A_197 = arith.muli %add3A_190, %mul3A_196 : i32
      %dma_start3A_198 = tpu.memref_slice %arg10[%mul3A_197] : memref<10000xi32, #tpu.memory_space<vmem>> -> memref<80xi32, #tpu.memory_space<vmem>>
      %dma_start3A_199 = arith.constant 0 : i32
      %dma_start3A_200 = arith.constant 0 : i32
      %dma_start3A_201 = tpu.memref_slice %arg2[%dma_start3A_199, %dma_start3A_200] : memref<10000x128xf32, #tpu.memory_space<hbm>> -> memref<10000x128xf32, #tpu.memory_space<hbm>>
      tpu.enqueue_indirect_dma source(%dma_start3A_201 : memref<10000x128xf32, #tpu.memory_space<hbm>>) target(%arg9 : memref<80x128xf32, #tpu.memory_space<vmem>>) offsets(%dma_start3A_198 : memref<80xi32, #tpu.memory_space<vmem>>) semaphore(%arg17 : memref<!tpu.dma_semaphore, #tpu.memory_space<semaphore_mem>>)
    }
    %scan3A_44 = arith.constant 40 : i32
    %dma_wait3A = arith.constant 0 : i32
    %dma_wait3A_45 = tpu.memref_slice %arg4[%dma_wait3A] : memref<320000xi32, #tpu.memory_space<hbm>> -> memref<80xi32, #tpu.memory_space<hbm>>
    %dma_wait3A_46 = arith.constant 0 : i32
    %dma_wait3A_47 = tpu.memref_slice %arg4[%dma_wait3A_46] : memref<320000xi32, #tpu.memory_space<hbm>> -> memref<80xi32, #tpu.memory_space<hbm>>
    tpu.wait_dma2 semaphore(%arg18 : memref<!tpu.dma_semaphore, #tpu.memory_space<semaphore_mem>>) src(%dma_wait3A_47 : memref<80xi32, #tpu.memory_space<hbm>>) dst(%arg11 : memref<80xi32, #tpu.memory_space<vmem>>)
    %dma_wait3A_48 = arith.constant 0 : i32
    %dma_wait3A_49 = arith.constant 0 : i32
    %dma_wait3A_50 = tpu.memref_slice %arg2[%dma_wait3A_48, %dma_wait3A_49] : memref<10000x128xf32, #tpu.memory_space<hbm>> -> memref<80x128xf32, #tpu.memory_space<hbm>>
    %dma_wait3A_51 = arith.constant 0 : i32
    %dma_wait3A_52 = arith.constant 0 : i32
    %dma_wait3A_53 = tpu.memref_slice %arg2[%dma_wait3A_51, %dma_wait3A_52] : memref<10000x128xf32, #tpu.memory_space<hbm>> -> memref<80x128xf32, #tpu.memory_space<hbm>>
    tpu.wait_dma2 semaphore(%arg15 : memref<!tpu.dma_semaphore, #tpu.memory_space<semaphore_mem>>) src(%dma_wait3A_53 : memref<80x128xf32, #tpu.memory_space<hbm>>) dst(%arg7 : memref<80x128xf32, #tpu.memory_space<vmem>>)
    "tpu.region"() ({
      %run_scoped3A = tpu.sem_alloc : memref<!tpu.dma_semaphore, #tpu.memory_space<semaphore_mem>>
      %dma_start3A_116 = arith.constant 0 : i32
      %dma_start3A_117 = arith.constant 0 : i32
      %dma_start3A_118 = tpu.memref_slice %arg6[%dma_start3A_116, %dma_start3A_117] : memref<10240x128xf32, #tpu.memory_space<vmem_shared>> -> memref<10240x128xf32, #tpu.memory_space<vmem_shared>>
      tpu.enqueue_indirect_dma source(%arg7 : memref<80x128xf32, #tpu.memory_space<vmem>>) target(%dma_start3A_118 : memref<10240x128xf32, #tpu.memory_space<vmem_shared>>) offsets(%arg11 : memref<80xi32, #tpu.memory_space<vmem>>) semaphore(%run_scoped3A : memref<!tpu.dma_semaphore, #tpu.memory_space<semaphore_mem>>) {add = true}
      %dma_wait3A_119 = arith.constant 0 : i32
      %dma_wait3A_120 = arith.constant 0 : i32
      %dma_wait3A_121 = tpu.memref_slice %arg6[%dma_wait3A_119, %dma_wait3A_120] : memref<10240x128xf32, #tpu.memory_space<vmem_shared>> -> memref<10240x128xf32, #tpu.memory_space<vmem_shared>>
      tpu.wait_indirect_dma semaphore(%run_scoped3A : memref<!tpu.dma_semaphore, #tpu.memory_space<semaphore_mem>>) src(%arg7 : memref<80x128xf32, #tpu.memory_space<vmem>>) dst(%dma_wait3A_121 : memref<10240x128xf32, #tpu.memory_space<vmem_shared>>)
      tpu.yield
    }) : () -> ()
    %add3A_54 = arith.constant 9840 : i32
    %add3A_55 = arith.addi %mul3A_2, %add3A_54 : i32
    %dma_start3A_56 = tpu.memref_slice %arg4[%add3A_55] : memref<320000xi32, #tpu.memory_space<hbm>> -> memref<80xi32, #tpu.memory_space<hbm>>
    %dma_start3A_57 = tpu.memref_slice %arg4[%add3A_55] : memref<320000xi32, #tpu.memory_space<hbm>> -> memref<80xi32, #tpu.memory_space<hbm>>
    tpu.enqueue_dma source(%dma_start3A_57 : memref<80xi32, #tpu.memory_space<hbm>>) target(%arg11 : memref<80xi32, #tpu.memory_space<vmem>>) target_semaphore(%arg18 : memref<!tpu.dma_semaphore, #tpu.memory_space<semaphore_mem>>)
    %dma_start3A_58 = arith.constant 9840 : i32
    %dma_start3A_59 = tpu.memref_slice %arg10[%dma_start3A_58] : memref<10000xi32, #tpu.memory_space<vmem>> -> memref<80xi32, #tpu.memory_space<vmem>>
    %dma_start3A_60 = arith.constant 0 : i32
    %dma_start3A_61 = arith.constant 0 : i32
    %dma_start3A_62 = tpu.memref_slice %arg2[%dma_start3A_60, %dma_start3A_61] : memref<10000x128xf32, #tpu.memory_space<hbm>> -> memref<10000x128xf32, #tpu.memory_space<hbm>>
    tpu.enqueue_indirect_dma source(%dma_start3A_62 : memref<10000x128xf32, #tpu.memory_space<hbm>>) target(%arg7 : memref<80x128xf32, #tpu.memory_space<vmem>>) offsets(%dma_start3A_59 : memref<80xi32, #tpu.memory_space<vmem>>) semaphore(%arg15 : memref<!tpu.dma_semaphore, #tpu.memory_space<semaphore_mem>>)
    %dma_wait3A_63 = arith.constant 0 : i32
    %dma_wait3A_64 = tpu.memref_slice %arg4[%dma_wait3A_63] : memref<320000xi32, #tpu.memory_space<hbm>> -> memref<80xi32, #tpu.memory_space<hbm>>
    %dma_wait3A_65 = arith.constant 0 : i32
    %dma_wait3A_66 = tpu.memref_slice %arg4[%dma_wait3A_65] : memref<320000xi32, #tpu.memory_space<hbm>> -> memref<80xi32, #tpu.memory_space<hbm>>
    tpu.wait_dma2 semaphore(%arg19 : memref<!tpu.dma_semaphore, #tpu.memory_space<semaphore_mem>>) src(%dma_wait3A_66 : memref<80xi32, #tpu.memory_space<hbm>>) dst(%arg12 : memref<80xi32, #tpu.memory_space<vmem>>)
    %dma_wait3A_67 = arith.constant 0 : i32
    %dma_wait3A_68 = arith.constant 0 : i32
    %dma_wait3A_69 = tpu.memref_slice %arg2[%dma_wait3A_67, %dma_wait3A_68] : memref<10000x128xf32, #tpu.memory_space<hbm>> -> memref<80x128xf32, #tpu.memory_space<hbm>>
    %dma_wait3A_70 = arith.constant 0 : i32
    %dma_wait3A_71 = arith.constant 0 : i32
    %dma_wait3A_72 = tpu.memref_slice %arg2[%dma_wait3A_70, %dma_wait3A_71] : memref<10000x128xf32, #tpu.memory_space<hbm>> -> memref<80x128xf32, #tpu.memory_space<hbm>>
    tpu.wait_dma2 semaphore(%arg16 : memref<!tpu.dma_semaphore, #tpu.memory_space<semaphore_mem>>) src(%dma_wait3A_72 : memref<80x128xf32, #tpu.memory_space<hbm>>) dst(%arg8 : memref<80x128xf32, #tpu.memory_space<vmem>>)
    "tpu.region"() ({
      %run_scoped3A = tpu.sem_alloc : memref<!tpu.dma_semaphore, #tpu.memory_space<semaphore_mem>>
      %dma_start3A_116 = arith.constant 0 : i32
      %dma_start3A_117 = arith.constant 0 : i32
      %dma_start3A_118 = tpu.memref_slice %arg6[%dma_start3A_116, %dma_start3A_117] : memref<10240x128xf32, #tpu.memory_space<vmem_shared>> -> memref<10240x128xf32, #tpu.memory_space<vmem_shared>>
      tpu.enqueue_indirect_dma source(%arg8 : memref<80x128xf32, #tpu.memory_space<vmem>>) target(%dma_start3A_118 : memref<10240x128xf32, #tpu.memory_space<vmem_shared>>) offsets(%arg12 : memref<80xi32, #tpu.memory_space<vmem>>) semaphore(%run_scoped3A : memref<!tpu.dma_semaphore, #tpu.memory_space<semaphore_mem>>) {add = true}
      %dma_wait3A_119 = arith.constant 0 : i32
      %dma_wait3A_120 = arith.constant 0 : i32
      %dma_wait3A_121 = tpu.memref_slice %arg6[%dma_wait3A_119, %dma_wait3A_120] : memref<10240x128xf32, #tpu.memory_space<vmem_shared>> -> memref<10240x128xf32, #tpu.memory_space<vmem_shared>>
      tpu.wait_indirect_dma semaphore(%run_scoped3A : memref<!tpu.dma_semaphore, #tpu.memory_space<semaphore_mem>>) src(%arg8 : memref<80x128xf32, #tpu.memory_space<vmem>>) dst(%dma_wait3A_121 : memref<10240x128xf32, #tpu.memory_space<vmem_shared>>)
      tpu.yield
    }) : () -> ()
    %add3A_73 = arith.constant 9920 : i32
    %add3A_74 = arith.addi %mul3A_2, %add3A_73 : i32
    %dma_start3A_75 = tpu.memref_slice %arg4[%add3A_74] : memref<320000xi32, #tpu.memory_space<hbm>> -> memref<80xi32, #tpu.memory_space<hbm>>
    %dma_start3A_76 = tpu.memref_slice %arg4[%add3A_74] : memref<320000xi32, #tpu.memory_space<hbm>> -> memref<80xi32, #tpu.memory_space<hbm>>
    tpu.enqueue_dma source(%dma_start3A_76 : memref<80xi32, #tpu.memory_space<hbm>>) target(%arg12 : memref<80xi32, #tpu.memory_space<vmem>>) target_semaphore(%arg19 : memref<!tpu.dma_semaphore, #tpu.memory_space<semaphore_mem>>)
    %dma_start3A_77 = arith.constant 9920 : i32
    %dma_start3A_78 = tpu.memref_slice %arg10[%dma_start3A_77] : memref<10000xi32, #tpu.memory_space<vmem>> -> memref<80xi32, #tpu.memory_space<vmem>>
    %dma_start3A_79 = arith.constant 0 : i32
    %dma_start3A_80 = arith.constant 0 : i32
    %dma_start3A_81 = tpu.memref_slice %arg2[%dma_start3A_79, %dma_start3A_80] : memref<10000x128xf32, #tpu.memory_space<hbm>> -> memref<10000x128xf32, #tpu.memory_space<hbm>>
    tpu.enqueue_indirect_dma source(%dma_start3A_81 : memref<10000x128xf32, #tpu.memory_space<hbm>>) target(%arg8 : memref<80x128xf32, #tpu.memory_space<vmem>>) offsets(%dma_start3A_78 : memref<80xi32, #tpu.memory_space<vmem>>) semaphore(%arg16 : memref<!tpu.dma_semaphore, #tpu.memory_space<semaphore_mem>>)
    %dma_wait3A_82 = arith.constant 0 : i32
    %dma_wait3A_83 = tpu.memref_slice %arg4[%dma_wait3A_82] : memref<320000xi32, #tpu.memory_space<hbm>> -> memref<80xi32, #tpu.memory_space<hbm>>
    %dma_wait3A_84 = arith.constant 0 : i32
    %dma_wait3A_85 = tpu.memref_slice %arg4[%dma_wait3A_84] : memref<320000xi32, #tpu.memory_space<hbm>> -> memref<80xi32, #tpu.memory_space<hbm>>
    tpu.wait_dma2 semaphore(%arg20 : memref<!tpu.dma_semaphore, #tpu.memory_space<semaphore_mem>>) src(%dma_wait3A_85 : memref<80xi32, #tpu.memory_space<hbm>>) dst(%arg13 : memref<80xi32, #tpu.memory_space<vmem>>)
    %dma_wait3A_86 = arith.constant 0 : i32
    %dma_wait3A_87 = arith.constant 0 : i32
    %dma_wait3A_88 = tpu.memref_slice %arg2[%dma_wait3A_86, %dma_wait3A_87] : memref<10000x128xf32, #tpu.memory_space<hbm>> -> memref<80x128xf32, #tpu.memory_space<hbm>>
    %dma_wait3A_89 = arith.constant 0 : i32
    %dma_wait3A_90 = arith.constant 0 : i32
    %dma_wait3A_91 = tpu.memref_slice %arg2[%dma_wait3A_89, %dma_wait3A_90] : memref<10000x128xf32, #tpu.memory_space<hbm>> -> memref<80x128xf32, #tpu.memory_space<hbm>>
    tpu.wait_dma2 semaphore(%arg17 : memref<!tpu.dma_semaphore, #tpu.memory_space<semaphore_mem>>) src(%dma_wait3A_91 : memref<80x128xf32, #tpu.memory_space<hbm>>) dst(%arg9 : memref<80x128xf32, #tpu.memory_space<vmem>>)
    "tpu.region"() ({
      %run_scoped3A = tpu.sem_alloc : memref<!tpu.dma_semaphore, #tpu.memory_space<semaphore_mem>>
      %dma_start3A_116 = arith.constant 0 : i32
      %dma_start3A_117 = arith.constant 0 : i32
      %dma_start3A_118 = tpu.memref_slice %arg6[%dma_start3A_116, %dma_start3A_117] : memref<10240x128xf32, #tpu.memory_space<vmem_shared>> -> memref<10240x128xf32, #tpu.memory_space<vmem_shared>>
      tpu.enqueue_indirect_dma source(%arg9 : memref<80x128xf32, #tpu.memory_space<vmem>>) target(%dma_start3A_118 : memref<10240x128xf32, #tpu.memory_space<vmem_shared>>) offsets(%arg13 : memref<80xi32, #tpu.memory_space<vmem>>) semaphore(%run_scoped3A : memref<!tpu.dma_semaphore, #tpu.memory_space<semaphore_mem>>) {add = true}
      %dma_wait3A_119 = arith.constant 0 : i32
      %dma_wait3A_120 = arith.constant 0 : i32
      %dma_wait3A_121 = tpu.memref_slice %arg6[%dma_wait3A_119, %dma_wait3A_120] : memref<10240x128xf32, #tpu.memory_space<vmem_shared>> -> memref<10240x128xf32, #tpu.memory_space<vmem_shared>>
      tpu.wait_indirect_dma semaphore(%run_scoped3A : memref<!tpu.dma_semaphore, #tpu.memory_space<semaphore_mem>>) src(%arg9 : memref<80x128xf32, #tpu.memory_space<vmem>>) dst(%dma_wait3A_121 : memref<10240x128xf32, #tpu.memory_space<vmem_shared>>)
      tpu.yield
    }) : () -> ()
    %dma_wait3A_92 = arith.constant 0 : i32
    %dma_wait3A_93 = tpu.memref_slice %arg4[%dma_wait3A_92] : memref<320000xi32, #tpu.memory_space<hbm>> -> memref<80xi32, #tpu.memory_space<hbm>>
    %dma_wait3A_94 = arith.constant 0 : i32
    %dma_wait3A_95 = tpu.memref_slice %arg4[%dma_wait3A_94] : memref<320000xi32, #tpu.memory_space<hbm>> -> memref<80xi32, #tpu.memory_space<hbm>>
    tpu.wait_dma2 semaphore(%arg18 : memref<!tpu.dma_semaphore, #tpu.memory_space<semaphore_mem>>) src(%dma_wait3A_95 : memref<80xi32, #tpu.memory_space<hbm>>) dst(%arg11 : memref<80xi32, #tpu.memory_space<vmem>>)
    %dma_wait3A_96 = arith.constant 0 : i32
    %dma_wait3A_97 = arith.constant 0 : i32
    %dma_wait3A_98 = tpu.memref_slice %arg2[%dma_wait3A_96, %dma_wait3A_97] : memref<10000x128xf32, #tpu.memory_space<hbm>> -> memref<80x128xf32, #tpu.memory_space<hbm>>
    %dma_wait3A_99 = arith.constant 0 : i32
    %dma_wait3A_100 = arith.constant 0 : i32
    %dma_wait3A_101 = tpu.memref_slice %arg2[%dma_wait3A_99, %dma_wait3A_100] : memref<10000x128xf32, #tpu.memory_space<hbm>> -> memref<80x128xf32, #tpu.memory_space<hbm>>
    tpu.wait_dma2 semaphore(%arg15 : memref<!tpu.dma_semaphore, #tpu.memory_space<semaphore_mem>>) src(%dma_wait3A_101 : memref<80x128xf32, #tpu.memory_space<hbm>>) dst(%arg7 : memref<80x128xf32, #tpu.memory_space<vmem>>)
    "tpu.region"() ({
      %run_scoped3A = tpu.sem_alloc : memref<!tpu.dma_semaphore, #tpu.memory_space<semaphore_mem>>
      %dma_start3A_116 = arith.constant 0 : i32
      %dma_start3A_117 = arith.constant 0 : i32
      %dma_start3A_118 = tpu.memref_slice %arg6[%dma_start3A_116, %dma_start3A_117] : memref<10240x128xf32, #tpu.memory_space<vmem_shared>> -> memref<10240x128xf32, #tpu.memory_space<vmem_shared>>
      tpu.enqueue_indirect_dma source(%arg7 : memref<80x128xf32, #tpu.memory_space<vmem>>) target(%dma_start3A_118 : memref<10240x128xf32, #tpu.memory_space<vmem_shared>>) offsets(%arg11 : memref<80xi32, #tpu.memory_space<vmem>>) semaphore(%run_scoped3A : memref<!tpu.dma_semaphore, #tpu.memory_space<semaphore_mem>>) {add = true}
      %dma_wait3A_119 = arith.constant 0 : i32
      %dma_wait3A_120 = arith.constant 0 : i32
      %dma_wait3A_121 = tpu.memref_slice %arg6[%dma_wait3A_119, %dma_wait3A_120] : memref<10240x128xf32, #tpu.memory_space<vmem_shared>> -> memref<10240x128xf32, #tpu.memory_space<vmem_shared>>
      tpu.wait_indirect_dma semaphore(%run_scoped3A : memref<!tpu.dma_semaphore, #tpu.memory_space<semaphore_mem>>) src(%arg7 : memref<80x128xf32, #tpu.memory_space<vmem>>) dst(%dma_wait3A_121 : memref<10240x128xf32, #tpu.memory_space<vmem_shared>>)
      tpu.yield
    }) : () -> ()
    %dma_wait3A_102 = arith.constant 0 : i32
    %dma_wait3A_103 = tpu.memref_slice %arg4[%dma_wait3A_102] : memref<320000xi32, #tpu.memory_space<hbm>> -> memref<80xi32, #tpu.memory_space<hbm>>
    %dma_wait3A_104 = arith.constant 0 : i32
    %dma_wait3A_105 = tpu.memref_slice %arg4[%dma_wait3A_104] : memref<320000xi32, #tpu.memory_space<hbm>> -> memref<80xi32, #tpu.memory_space<hbm>>
    tpu.wait_dma2 semaphore(%arg19 : memref<!tpu.dma_semaphore, #tpu.memory_space<semaphore_mem>>) src(%dma_wait3A_105 : memref<80xi32, #tpu.memory_space<hbm>>) dst(%arg12 : memref<80xi32, #tpu.memory_space<vmem>>)
    %dma_wait3A_106 = arith.constant 0 : i32
    %dma_wait3A_107 = arith.constant 0 : i32
    %dma_wait3A_108 = tpu.memref_slice %arg2[%dma_wait3A_106, %dma_wait3A_107] : memref<10000x128xf32, #tpu.memory_space<hbm>> -> memref<80x128xf32, #tpu.memory_space<hbm>>
    %dma_wait3A_109 = arith.constant 0 : i32
    %dma_wait3A_110 = arith.constant 0 : i32
    %dma_wait3A_111 = tpu.memref_slice %arg2[%dma_wait3A_109, %dma_wait3A_110] : memref<10000x128xf32, #tpu.memory_space<hbm>> -> memref<80x128xf32, #tpu.memory_space<hbm>>
    tpu.wait_dma2 semaphore(%arg16 : memref<!tpu.dma_semaphore, #tpu.memory_space<semaphore_mem>>) src(%dma_wait3A_111 : memref<80x128xf32, #tpu.memory_space<hbm>>) dst(%arg8 : memref<80x128xf32, #tpu.memory_space<vmem>>)
    "tpu.region"() ({
      %run_scoped3A = tpu.sem_alloc : memref<!tpu.dma_semaphore, #tpu.memory_space<semaphore_mem>>
      %dma_start3A_116 = arith.constant 0 : i32
      %dma_start3A_117 = arith.constant 0 : i32
      %dma_start3A_118 = tpu.memref_slice %arg6[%dma_start3A_116, %dma_start3A_117] : memref<10240x128xf32, #tpu.memory_space<vmem_shared>> -> memref<10240x128xf32, #tpu.memory_space<vmem_shared>>
      tpu.enqueue_indirect_dma source(%arg8 : memref<80x128xf32, #tpu.memory_space<vmem>>) target(%dma_start3A_118 : memref<10240x128xf32, #tpu.memory_space<vmem_shared>>) offsets(%arg12 : memref<80xi32, #tpu.memory_space<vmem>>) semaphore(%run_scoped3A : memref<!tpu.dma_semaphore, #tpu.memory_space<semaphore_mem>>) {add = true}
      %dma_wait3A_119 = arith.constant 0 : i32
      %dma_wait3A_120 = arith.constant 0 : i32
      %dma_wait3A_121 = tpu.memref_slice %arg6[%dma_wait3A_119, %dma_wait3A_120] : memref<10240x128xf32, #tpu.memory_space<vmem_shared>> -> memref<10240x128xf32, #tpu.memory_space<vmem_shared>>
      tpu.wait_indirect_dma semaphore(%run_scoped3A : memref<!tpu.dma_semaphore, #tpu.memory_space<semaphore_mem>>) src(%arg8 : memref<80x128xf32, #tpu.memory_space<vmem>>) dst(%dma_wait3A_121 : memref<10240x128xf32, #tpu.memory_space<vmem_shared>>)
      tpu.yield
    }) : () -> ()
    %barrier3A_112 = arith.constant 0 : index
    tpu.barrier barrier_id(%barrier3A_112)
    %mul3A_113 = arith.constant 10240 : i32
    %mul3A_114 = arith.muli %arg0, %mul3A_113 : i32
    %add3A_115 = arith.addi %mul3A_114, %mul3A_4 : i32
    "tpu.region"() ({
      %run_scoped3A = tpu.sem_alloc : memref<!tpu.dma_semaphore, #tpu.memory_space<semaphore_mem>>
      %dma_start3A_116 = arith.constant 0 : i32
      %dma_start3A_117 = tpu.memref_slice %arg5[%add3A_115, %dma_start3A_116] : memref<20480x128xf32, #tpu.memory_space<hbm>> -> memref<640x128xf32, #tpu.memory_space<hbm>>
      %dma_start3A_118 = arith.constant 0 : i32
      %dma_start3A_119 = tpu.memref_slice %arg6[%mul3A_4, %dma_start3A_118] : memref<10240x128xf32, #tpu.memory_space<vmem_shared>> -> memref<640x128xf32, #tpu.memory_space<vmem_shared>>
      tpu.enqueue_dma source(%dma_start3A_119 : memref<640x128xf32, #tpu.memory_space<vmem_shared>>) target(%dma_start3A_117 : memref<640x128xf32, #tpu.memory_space<hbm>>) target_semaphore(%run_scoped3A : memref<!tpu.dma_semaphore, #tpu.memory_space<semaphore_mem>>)
      %dma_wait3A_120 = arith.constant 0 : i32
      %dma_wait3A_121 = tpu.memref_slice %arg5[%add3A_115, %dma_wait3A_120] : memref<20480x128xf32, #tpu.memory_space<hbm>> -> memref<640x128xf32, #tpu.memory_space<hbm>>
      %dma_wait3A_122 = arith.constant 0 : i32
      %dma_wait3A_123 = tpu.memref_slice %arg6[%mul3A_4, %dma_wait3A_122] : memref<10240x128xf32, #tpu.memory_space<vmem_shared>> -> memref<640x128xf32, #tpu.memory_space<vmem_shared>>
      tpu.wait_dma2 semaphore(%run_scoped3A : memref<!tpu.dma_semaphore, #tpu.memory_space<semaphore_mem>>) src(%dma_wait3A_123 : memref<640x128xf32, #tpu.memory_space<vmem_shared>>) dst(%dma_wait3A_121 : memref<640x128xf32, #tpu.memory_space<hbm>>)
      tpu.yield
    }) : () -> ()
    return
  }
}

#map = affine_map<(d0, d1) -> (0, 0)>
#map1 = affine_map<(d0, d1) -> (0)>
module attributes {stable_mosaic.version = 14 : i64} {
  func.func @_sc_body(%arg0: i32, %arg1: i32, %arg2: memref<10000x128xf32, #tpu.memory_space<hbm>>, %arg3: memref<320000xi32, #tpu.memory_space<hbm>>, %arg4: memref<320000xi32, #tpu.memory_space<hbm>>, %arg5: memref<20480x128xf32, #tpu.memory_space<hbm>>, %arg6: memref<10240x128xf32, #tpu.memory_space<vmem_shared>>, %arg7: memref<80x128xf32, #tpu.memory_space<vmem>>, %arg8: memref<80x128xf32, #tpu.memory_space<vmem>>, %arg9: memref<80x128xf32, #tpu.memory_space<vmem>>, %arg10: memref<10000xi32, #tpu.memory_space<vmem>>, %arg11: memref<80xi32, #tpu.memory_space<vmem>>, %arg12: memref<80xi32, #tpu.memory_space<vmem>>, %arg13: memref<80xi32, #tpu.memory_space<vmem>>, %arg14: memref<40x128xf32, #tpu.memory_space<vmem>>, %arg15: memref<!tpu.dma_semaphore, #tpu.memory_space<semaphore_mem>>, %arg16: memref<!tpu.dma_semaphore, #tpu.memory_space<semaphore_mem>>, %arg17: memref<!tpu.dma_semaphore, #tpu.memory_space<semaphore_mem>>, %arg18: memref<!tpu.dma_semaphore, #tpu.memory_space<semaphore_mem>>, %arg19: memref<!tpu.dma_semaphore, #tpu.memory_space<semaphore_mem>>, %arg20: memref<!tpu.dma_semaphore, #tpu.memory_space<semaphore_mem>>) attributes {dimension_semantics = [#tpu.dimension_semantics<core_parallel>, #tpu.dimension_semantics<subcore_parallel>], iteration_bounds = array<i64: 2, 16>, scalar_prefetch = 0 : i64, scratch_operands = 15 : i64, tpu.core_type = #tpu.core_type<sc_vector_subcore>, window_params = [{transform_indices = #map}, {transform_indices = #map1}, {transform_indices = #map1}, {transform_indices = #map}]} {
    %mul3A = arith.constant 2 : i32
    %mul3A_0 = arith.muli %arg1, %mul3A : i32
    %add3A = arith.addi %mul3A_0, %arg0 : i32
    %mul3A_1 = arith.constant 10000 : i32
    %mul3A_2 = arith.muli %add3A, %mul3A_1 : i32
    %mul3A_3 = arith.constant 640 : i32
    %mul3A_4 = arith.muli %arg1, %mul3A_3 : i32
    %scan3A = arith.constant 0 : i32
    %scan3A_5 = arith.constant 80 : i32
    %scan3A_6 = arith.addi %scan3A, %scan3A_5 : i32
    %scan3A_7 = arith.constant 1 : i32
    scf.for %scan3A_132 = %scan3A to %scan3A_6 step %scan3A_7  : i32 {
      %mul3A_133 = arith.constant 1 : i32
      %mul3A_134 = arith.muli %scan3A_132, %mul3A_133 : i32
      %add3A_135 = arith.constant 0 : i32
      %add3A_136 = arith.addi %add3A_135, %mul3A_134 : i32
      %broadcast_in_dim3A_137 = arith.constant 0.000000e+00 : f32
      %broadcast_in_dim3A_138 = vector.broadcast %broadcast_in_dim3A_137 : f32 to vector<16xf32>
      %swap3A = arith.index_cast %add3A_136 : i32 to index
      %swap3A_139 = arith.constant 0 : index
      %swap3A_140 = tpu.vector_load %arg7[%swap3A, %swap3A_139] {strides = array<i32>} : memref<80x128xf32, #tpu.memory_space<vmem>>, vector<16xf32>,
      tpu.vector_store %arg7[%swap3A, %swap3A_139], %broadcast_in_dim3A_138 {strides = array<i32>} : memref<80x128xf32, #tpu.memory_space<vmem>>, vector<16xf32>,
      %broadcast_in_dim3A_141 = arith.constant 0.000000e+00 : f32
      %broadcast_in_dim3A_142 = vector.broadcast %broadcast_in_dim3A_141 : f32 to vector<16xf32>
      %swap3A_143 = arith.index_cast %add3A_136 : i32 to index
      %swap3A_144 = arith.constant 16 : index
      %swap3A_145 = tpu.vector_load %arg7[%swap3A_143, %swap3A_144] {strides = array<i32>} : memref<80x128xf32, #tpu.memory_space<vmem>>, vector<16xf32>,
      tpu.vector_store %arg7[%swap3A_143, %swap3A_144], %broadcast_in_dim3A_142 {strides = array<i32>} : memref<80x128xf32, #tpu.memory_space<vmem>>, vector<16xf32>,
      %broadcast_in_dim3A_146 = arith.constant 0.000000e+00 : f32
      %broadcast_in_dim3A_147 = vector.broadcast %broadcast_in_dim3A_146 : f32 to vector<16xf32>
      %swap3A_148 = arith.index_cast %add3A_136 : i32 to index
      %swap3A_149 = arith.constant 32 : index
      %swap3A_150 = tpu.vector_load %arg7[%swap3A_148, %swap3A_149] {strides = array<i32>} : memref<80x128xf32, #tpu.memory_space<vmem>>, vector<16xf32>,
      tpu.vector_store %arg7[%swap3A_148, %swap3A_149], %broadcast_in_dim3A_147 {strides = array<i32>} : memref<80x128xf32, #tpu.memory_space<vmem>>, vector<16xf32>,
      %broadcast_in_dim3A_151 = arith.constant 0.000000e+00 : f32
      %broadcast_in_dim3A_152 = vector.broadcast %broadcast_in_dim3A_151 : f32 to vector<16xf32>
      %swap3A_153 = arith.index_cast %add3A_136 : i32 to index
      %swap3A_154 = arith.constant 48 : index
      %swap3A_155 = tpu.vector_load %arg7[%swap3A_153, %swap3A_154] {strides = array<i32>} : memref<80x128xf32, #tpu.memory_space<vmem>>, vector<16xf32>,
      tpu.vector_store %arg7[%swap3A_153, %swap3A_154], %broadcast_in_dim3A_152 {strides = array<i32>} : memref<80x128xf32, #tpu.memory_space<vmem>>, vector<16xf32>,
      %broadcast_in_dim3A_156 = arith.constant 0.000000e+00 : f32
      %broadcast_in_dim3A_157 = vector.broadcast %broadcast_in_dim3A_156 : f32 to vector<16xf32>
      %swap3A_158 = arith.index_cast %add3A_136 : i32 to index
      %swap3A_159 = arith.constant 64 : index
      %swap3A_160 = tpu.vector_load %arg7[%swap3A_158, %swap3A_159] {strides = array<i32>} : memref<80x128xf32, #tpu.memory_space<vmem>>, vector<16xf32>,
      tpu.vector_store %arg7[%swap3A_158, %swap3A_159], %broadcast_in_dim3A_157 {strides = array<i32>} : memref<80x128xf32, #tpu.memory_space<vmem>>, vector<16xf32>,
      %broadcast_in_dim3A_161 = arith.constant 0.000000e+00 : f32
      %broadcast_in_dim3A_162 = vector.broadcast %broadcast_in_dim3A_161 : f32 to vector<16xf32>
      %swap3A_163 = arith.index_cast %add3A_136 : i32 to index
      %swap3A_164 = arith.constant 80 : index
      %swap3A_165 = tpu.vector_load %arg7[%swap3A_163, %swap3A_164] {strides = array<i32>} : memref<80x128xf32, #tpu.memory_space<vmem>>, vector<16xf32>,
      tpu.vector_store %arg7[%swap3A_163, %swap3A_164], %broadcast_in_dim3A_162 {strides = array<i32>} : memref<80x128xf32, #tpu.memory_space<vmem>>, vector<16xf32>,
      %broadcast_in_dim3A_166 = arith.constant 0.000000e+00 : f32
      %broadcast_in_dim3A_167 = vector.broadcast %broadcast_in_dim3A_166 : f32 to vector<16xf32>
      %swap3A_168 = arith.index_cast %add3A_136 : i32 to index
      %swap3A_169 = arith.constant 96 : index
      %swap3A_170 = tpu.vector_load %arg7[%swap3A_168, %swap3A_169] {strides = array<i32>} : memref<80x128xf32, #tpu.memory_space<vmem>>, vector<16xf32>,
      tpu.vector_store %arg7[%swap3A_168, %swap3A_169], %broadcast_in_dim3A_167 {strides = array<i32>} : memref<80x128xf32, #tpu.memory_space<vmem>>, vector<16xf32>,
      %broadcast_in_dim3A_171 = arith.constant 0.000000e+00 : f32
      %broadcast_in_dim3A_172 = vector.broadcast %broadcast_in_dim3A_171 : f32 to vector<16xf32>
      %swap3A_173 = arith.index_cast %add3A_136 : i32 to index
      %swap3A_174 = arith.constant 112 : index
      %swap3A_175 = tpu.vector_load %arg7[%swap3A_173, %swap3A_174] {strides = array<i32>} : memref<80x128xf32, #tpu.memory_space<vmem>>, vector<16xf32>,
      tpu.vector_store %arg7[%swap3A_173, %swap3A_174], %broadcast_in_dim3A_172 {strides = array<i32>} : memref<80x128xf32, #tpu.memory_space<vmem>>, vector<16xf32>,
    }
    %scan3A_8 = arith.constant 80 : i32
    "tpu.region"() ({
      %run_scoped3A = tpu.sem_alloc : memref<!tpu.dma_semaphore, #tpu.memory_space<semaphore_mem>>
      %dma_start3A_132 = tpu.memref_slice %arg4[%mul3A_2] : memref<320000xi32, #tpu.memory_space<hbm>> -> memref<10000xi32, #tpu.memory_space<hbm>>
      %dma_start3A_133 = tpu.memref_slice %arg4[%mul3A_2] : memref<320000xi32, #tpu.memory_space<hbm>> -> memref<10000xi32, #tpu.memory_space<hbm>>
      tpu.enqueue_dma source(%dma_start3A_133 : memref<10000xi32, #tpu.memory_space<hbm>>) target(%arg10 : memref<10000xi32, #tpu.memory_space<vmem>>) target_semaphore(%run_scoped3A : memref<!tpu.dma_semaphore, #tpu.memory_space<semaphore_mem>>)
      %dma_wait3A_134 = tpu.memref_slice %arg4[%mul3A_2] : memref<320000xi32, #tpu.memory_space<hbm>> -> memref<10000xi32, #tpu.memory_space<hbm>>
      %dma_wait3A_135 = tpu.memref_slice %arg4[%mul3A_2] : memref<320000xi32, #tpu.memory_space<hbm>> -> memref<10000xi32, #tpu.memory_space<hbm>>
      tpu.wait_dma2 semaphore(%run_scoped3A : memref<!tpu.dma_semaphore, #tpu.memory_space<semaphore_mem>>) src(%dma_wait3A_135 : memref<10000xi32, #tpu.memory_space<hbm>>) dst(%arg10 : memref<10000xi32, #tpu.memory_space<vmem>>)
      tpu.yield
    }) : () -> ()
    %broadcast_in_dim3A = arith.constant 1.000000e+00 : f32
    %broadcast_in_dim3A_9 = vector.broadcast %broadcast_in_dim3A : f32 to vector<16xf32>
    %scan3A_10 = arith.constant 0 : i32
    %scan3A_11 = arith.constant 625 : i32
    %scan3A_12 = arith.addi %scan3A_10, %scan3A_11 : i32
    %scan3A_13 = arith.constant 1 : i32
    scf.for %scan3A_132 = %scan3A_10 to %scan3A_12 step %scan3A_13  : i32 {
      %mul3A_133 = arith.constant 1 : i32
      %mul3A_134 = arith.muli %scan3A_132, %mul3A_133 : i32
      %add3A_135 = arith.constant 0 : i32
      %add3A_136 = arith.addi %add3A_135, %mul3A_134 : i32
      %mul3A_137 = arith.constant 16 : i32
      %mul3A_138 = arith.muli %add3A_136, %mul3A_137 : i32
      %get3A = arith.index_cast %mul3A_138 : i32 to index
      %get3A_139 = tpu.vector_load %arg10[%get3A] {strides = array<i32>} : memref<10000xi32, #tpu.memory_space<vmem>>, vector<16xi32>,
      %shift_right_logical3A = arith.constant 7 : i32
      %shift_right_logical3A_140 = vector.broadcast %shift_right_logical3A : i32 to vector<16xi32>
      %shift_right_logical3A_141 = arith.shrui %get3A_139, %shift_right_logical3A_140 : vector<16xi32>
      %and3A = arith.constant 127 : i32
      %and3A_142 = vector.broadcast %and3A : i32 to vector<16xi32>
      %and3A_143 = arith.andi %get3A_139, %and3A_142 : vector<16xi32>
      tpu.vector_store_idx %arg7[%shift_right_logical3A_141, %and3A_143], %broadcast_in_dim3A_9 {add = true} : memref<80x128xf32, #tpu.memory_space<vmem>>[vector<16xi32>, vector<16xi32>], vector<16xf32>,
    }
    %scan3A_14 = arith.constant 625 : i32
    %scan3A_15 = arith.constant 0 : i32
    %scan3A_16 = arith.constant 5 : i32
    %scan3A_17 = arith.addi %scan3A_15, %scan3A_16 : i32
    %scan3A_18 = arith.constant 1 : i32
    scf.for %scan3A_132 = %scan3A_15 to %scan3A_17 step %scan3A_18  : i32 {
      %mul3A_133 = arith.constant 1 : i32
      %mul3A_134 = arith.muli %scan3A_132, %mul3A_133 : i32
      %add3A_135 = arith.constant 0 : i32
      %add3A_136 = arith.addi %add3A_135, %mul3A_134 : i32
      %iota3A = tpu.iota {dimensions = array<i32: 0>} : vector<16xi32>
      %mul3A_137 = arith.constant 16 : i32
      %mul3A_138 = arith.muli %add3A_136, %mul3A_137 : i32
      %add3A_139 = arith.constant 10000 : i32
      %add3A_140 = arith.addi %add3A_139, %mul3A_138 : i32
      %add3A_141 = vector.broadcast %add3A_140 : i32 to vector<16xi32>
      %add3A_142 = arith.addi %iota3A, %add3A_141 : vector<16xi32>
      %mul3A_143 = arith.constant 16 : i32
      %mul3A_144 = arith.muli %add3A_136, %mul3A_143 : i32
      %swap3A = arith.index_cast %mul3A_144 : i32 to index
      %swap3A_145 = tpu.vector_load %arg11[%swap3A] {strides = array<i32>} : memref<80xi32, #tpu.memory_space<vmem>>, vector<16xi32>,
      tpu.vector_store %arg11[%swap3A], %add3A_142 {strides = array<i32>} : memref<80xi32, #tpu.memory_space<vmem>>, vector<16xi32>,
    }
    %scan3A_19 = arith.constant 5 : i32
    "tpu.region"() ({
      %run_scoped3A = tpu.sem_alloc : memref<!tpu.dma_semaphore, #tpu.memory_space<semaphore_mem>>
      %dma_start3A_132 = tpu.memref_slice %arg3[%mul3A_2] : memref<320000xi32, #tpu.memory_space<hbm>> -> memref<10000xi32, #tpu.memory_space<hbm>>
      %dma_start3A_133 = tpu.memref_slice %arg3[%mul3A_2] : memref<320000xi32, #tpu.memory_space<hbm>> -> memref<10000xi32, #tpu.memory_space<hbm>>
      tpu.enqueue_dma source(%dma_start3A_133 : memref<10000xi32, #tpu.memory_space<hbm>>) target(%arg10 : memref<10000xi32, #tpu.memory_space<vmem>>) target_semaphore(%run_scoped3A : memref<!tpu.dma_semaphore, #tpu.memory_space<semaphore_mem>>)
      %dma_wait3A_134 = tpu.memref_slice %arg3[%mul3A_2] : memref<320000xi32, #tpu.memory_space<hbm>> -> memref<10000xi32, #tpu.memory_space<hbm>>
      %dma_wait3A_135 = tpu.memref_slice %arg3[%mul3A_2] : memref<320000xi32, #tpu.memory_space<hbm>> -> memref<10000xi32, #tpu.memory_space<hbm>>
      tpu.wait_dma2 semaphore(%run_scoped3A : memref<!tpu.dma_semaphore, #tpu.memory_space<semaphore_mem>>) src(%dma_wait3A_135 : memref<10000xi32, #tpu.memory_space<hbm>>) dst(%arg10 : memref<10000xi32, #tpu.memory_space<vmem>>)
      tpu.yield
    }) : () -> ()
    %scan3A_20 = arith.constant 0 : i32
    %scan3A_21 = arith.constant 40 : i32
    %scan3A_22 = arith.addi %scan3A_20, %scan3A_21 : i32
    %scan3A_23 = arith.constant 1 : i32
    scf.for %scan3A_132 = %scan3A_20 to %scan3A_22 step %scan3A_23  : i32 {
      %mul3A_133 = arith.constant 1 : i32
      %mul3A_134 = arith.muli %scan3A_132, %mul3A_133 : i32
      %add3A_135 = arith.constant 0 : i32
      %add3A_136 = arith.addi %add3A_135, %mul3A_134 : i32
      %broadcast_in_dim3A_137 = arith.constant 0.000000e+00 : f32
      %broadcast_in_dim3A_138 = vector.broadcast %broadcast_in_dim3A_137 : f32 to vector<16xf32>
      %swap3A = arith.index_cast %add3A_136 : i32 to index
      %swap3A_139 = arith.constant 0 : index
      %swap3A_140 = tpu.vector_load %arg14[%swap3A, %swap3A_139] {strides = array<i32>} : memref<40x128xf32, #tpu.memory_space<vmem>>, vector<16xf32>,
      tpu.vector_store %arg14[%swap3A, %swap3A_139], %broadcast_in_dim3A_138 {strides = array<i32>} : memref<40x128xf32, #tpu.memory_space<vmem>>, vector<16xf32>,
      %broadcast_in_dim3A_141 = arith.constant 0.000000e+00 : f32
      %broadcast_in_dim3A_142 = vector.broadcast %broadcast_in_dim3A_141 : f32 to vector<16xf32>
      %swap3A_143 = arith.index_cast %add3A_136 : i32 to index
      %swap3A_144 = arith.constant 16 : index
      %swap3A_145 = tpu.vector_load %arg14[%swap3A_143, %swap3A_144] {strides = array<i32>} : memref<40x128xf32, #tpu.memory_space<vmem>>, vector<16xf32>,
      tpu.vector_store %arg14[%swap3A_143, %swap3A_144], %broadcast_in_dim3A_142 {strides = array<i32>} : memref<40x128xf32, #tpu.memory_space<vmem>>, vector<16xf32>,
      %broadcast_in_dim3A_146 = arith.constant 0.000000e+00 : f32
      %broadcast_in_dim3A_147 = vector.broadcast %broadcast_in_dim3A_146 : f32 to vector<16xf32>
      %swap3A_148 = arith.index_cast %add3A_136 : i32 to index
      %swap3A_149 = arith.constant 32 : index
      %swap3A_150 = tpu.vector_load %arg14[%swap3A_148, %swap3A_149] {strides = array<i32>} : memref<40x128xf32, #tpu.memory_space<vmem>>, vector<16xf32>,
      tpu.vector_store %arg14[%swap3A_148, %swap3A_149], %broadcast_in_dim3A_147 {strides = array<i32>} : memref<40x128xf32, #tpu.memory_space<vmem>>, vector<16xf32>,
      %broadcast_in_dim3A_151 = arith.constant 0.000000e+00 : f32
      %broadcast_in_dim3A_152 = vector.broadcast %broadcast_in_dim3A_151 : f32 to vector<16xf32>
      %swap3A_153 = arith.index_cast %add3A_136 : i32 to index
      %swap3A_154 = arith.constant 48 : index
      %swap3A_155 = tpu.vector_load %arg14[%swap3A_153, %swap3A_154] {strides = array<i32>} : memref<40x128xf32, #tpu.memory_space<vmem>>, vector<16xf32>,
      tpu.vector_store %arg14[%swap3A_153, %swap3A_154], %broadcast_in_dim3A_152 {strides = array<i32>} : memref<40x128xf32, #tpu.memory_space<vmem>>, vector<16xf32>,
      %broadcast_in_dim3A_156 = arith.constant 0.000000e+00 : f32
      %broadcast_in_dim3A_157 = vector.broadcast %broadcast_in_dim3A_156 : f32 to vector<16xf32>
      %swap3A_158 = arith.index_cast %add3A_136 : i32 to index
      %swap3A_159 = arith.constant 64 : index
      %swap3A_160 = tpu.vector_load %arg14[%swap3A_158, %swap3A_159] {strides = array<i32>} : memref<40x128xf32, #tpu.memory_space<vmem>>, vector<16xf32>,
      tpu.vector_store %arg14[%swap3A_158, %swap3A_159], %broadcast_in_dim3A_157 {strides = array<i32>} : memref<40x128xf32, #tpu.memory_space<vmem>>, vector<16xf32>,
      %broadcast_in_dim3A_161 = arith.constant 0.000000e+00 : f32
      %broadcast_in_dim3A_162 = vector.broadcast %broadcast_in_dim3A_161 : f32 to vector<16xf32>
      %swap3A_163 = arith.index_cast %add3A_136 : i32 to index
      %swap3A_164 = arith.constant 80 : index
      %swap3A_165 = tpu.vector_load %arg14[%swap3A_163, %swap3A_164] {strides = array<i32>} : memref<40x128xf32, #tpu.memory_space<vmem>>, vector<16xf32>,
      tpu.vector_store %arg14[%swap3A_163, %swap3A_164], %broadcast_in_dim3A_162 {strides = array<i32>} : memref<40x128xf32, #tpu.memory_space<vmem>>, vector<16xf32>,
      %broadcast_in_dim3A_166 = arith.constant 0.000000e+00 : f32
      %broadcast_in_dim3A_167 = vector.broadcast %broadcast_in_dim3A_166 : f32 to vector<16xf32>
      %swap3A_168 = arith.index_cast %add3A_136 : i32 to index
      %swap3A_169 = arith.constant 96 : index
      %swap3A_170 = tpu.vector_load %arg14[%swap3A_168, %swap3A_169] {strides = array<i32>} : memref<40x128xf32, #tpu.memory_space<vmem>>, vector<16xf32>,
      tpu.vector_store %arg14[%swap3A_168, %swap3A_169], %broadcast_in_dim3A_167 {strides = array<i32>} : memref<40x128xf32, #tpu.memory_space<vmem>>, vector<16xf32>,
      %broadcast_in_dim3A_171 = arith.constant 0.000000e+00 : f32
      %broadcast_in_dim3A_172 = vector.broadcast %broadcast_in_dim3A_171 : f32 to vector<16xf32>
      %swap3A_173 = arith.index_cast %add3A_136 : i32 to index
      %swap3A_174 = arith.constant 112 : index
      %swap3A_175 = tpu.vector_load %arg14[%swap3A_173, %swap3A_174] {strides = array<i32>} : memref<40x128xf32, #tpu.memory_space<vmem>>, vector<16xf32>,
      tpu.vector_store %arg14[%swap3A_173, %swap3A_174], %broadcast_in_dim3A_172 {strides = array<i32>} : memref<40x128xf32, #tpu.memory_space<vmem>>, vector<16xf32>,
    }
    %scan3A_24 = arith.constant 40 : i32
    %scan3A_25 = arith.constant 0 : i32
    %scan3A_26 = arith.constant 16 : i32
    %scan3A_27 = arith.addi %scan3A_25, %scan3A_26 : i32
    %scan3A_28 = arith.constant 1 : i32
    scf.for %scan3A_132 = %scan3A_25 to %scan3A_27 step %scan3A_28  : i32 {
      %mul3A_133 = arith.constant 1 : i32
      %mul3A_134 = arith.muli %scan3A_132, %mul3A_133 : i32
      %add3A_135 = arith.constant 0 : i32
      %add3A_136 = arith.addi %add3A_135, %mul3A_134 : i32
      %mul3A_137 = arith.constant 40 : i32
      %mul3A_138 = arith.muli %add3A_136, %mul3A_137 : i32
      %add3A_139 = arith.addi %mul3A_4, %mul3A_138 : i32
      "tpu.region"() ({
        %run_scoped3A = tpu.sem_alloc : memref<!tpu.dma_semaphore, #tpu.memory_space<semaphore_mem>>
        %dma_start3A_140 = arith.constant 0 : i32
        %dma_start3A_141 = tpu.memref_slice %arg6[%add3A_139, %dma_start3A_140] : memref<10240x128xf32, #tpu.memory_space<vmem_shared>> -> memref<40x128xf32, #tpu.memory_space<vmem_shared>>
        %dma_start3A_142 = arith.constant 0 : i32
        %dma_start3A_143 = tpu.memref_slice %arg6[%add3A_139, %dma_start3A_142] : memref<10240x128xf32, #tpu.memory_space<vmem_shared>> -> memref<40x128xf32, #tpu.memory_space<vmem_shared>>
        tpu.enqueue_dma source(%arg14 : memref<40x128xf32, #tpu.memory_space<vmem>>) target(%dma_start3A_143 : memref<40x128xf32, #tpu.memory_space<vmem_shared>>) target_semaphore(%run_scoped3A : memref<!tpu.dma_semaphore, #tpu.memory_space<semaphore_mem>>)
        %dma_wait3A_144 = arith.constant 0 : i32
        %dma_wait3A_145 = tpu.memref_slice %arg6[%add3A_139, %dma_wait3A_144] : memref<10240x128xf32, #tpu.memory_space<vmem_shared>> -> memref<40x128xf32, #tpu.memory_space<vmem_shared>>
        %dma_wait3A_146 = arith.constant 0 : i32
        %dma_wait3A_147 = tpu.memref_slice %arg6[%add3A_139, %dma_wait3A_146] : memref<10240x128xf32, #tpu.memory_space<vmem_shared>> -> memref<40x128xf32, #tpu.memory_space<vmem_shared>>
        tpu.wait_dma2 semaphore(%run_scoped3A : memref<!tpu.dma_semaphore, #tpu.memory_space<semaphore_mem>>) src(%arg14 : memref<40x128xf32, #tpu.memory_space<vmem>>) dst(%dma_wait3A_147 : memref<40x128xf32, #tpu.memory_space<vmem_shared>>)
        tpu.yield
      }) : () -> ()
    }
    %scan3A_29 = arith.constant 16 : i32
    %barrier3A = arith.constant 0 : index
    tpu.barrier barrier_id(%barrier3A)
    "tpu.region"() ({
      %run_scoped3A = tpu.sem_alloc : memref<!tpu.dma_semaphore, #tpu.memory_space<semaphore_mem>>
      %dma_start3A_132 = arith.constant 0 : i32
      %dma_start3A_133 = arith.constant 0 : i32
      %dma_start3A_134 = tpu.memref_slice %arg6[%dma_start3A_132, %dma_start3A_133] : memref<10240x128xf32, #tpu.memory_space<vmem_shared>> -> memref<10240x128xf32, #tpu.memory_space<vmem_shared>>
      tpu.enqueue_indirect_dma source(%arg7 : memref<80x128xf32, #tpu.memory_space<vmem>>) target(%dma_start3A_134 : memref<10240x128xf32, #tpu.memory_space<vmem_shared>>) offsets(%arg11 : memref<80xi32, #tpu.memory_space<vmem>>) semaphore(%run_scoped3A : memref<!tpu.dma_semaphore, #tpu.memory_space<semaphore_mem>>) {add = true}
      %dma_wait3A_135 = arith.constant 0 : i32
      %dma_wait3A_136 = arith.constant 0 : i32
      %dma_wait3A_137 = tpu.memref_slice %arg6[%dma_wait3A_135, %dma_wait3A_136] : memref<10240x128xf32, #tpu.memory_space<vmem_shared>> -> memref<10240x128xf32, #tpu.memory_space<vmem_shared>>
      tpu.wait_indirect_dma semaphore(%run_scoped3A : memref<!tpu.dma_semaphore, #tpu.memory_space<semaphore_mem>>) src(%arg7 : memref<80x128xf32, #tpu.memory_space<vmem>>) dst(%dma_wait3A_137 : memref<10240x128xf32, #tpu.memory_space<vmem_shared>>)
      tpu.yield
    }) : () -> ()
    %add3A_30 = arith.constant 0 : i32
    %add3A_31 = arith.addi %mul3A_2, %add3A_30 : i32
    %dma_start3A = tpu.memref_slice %arg4[%add3A_31] : memref<320000xi32, #tpu.memory_space<hbm>> -> memref<80xi32, #tpu.memory_space<hbm>>
    %dma_start3A_32 = tpu.memref_slice %arg4[%add3A_31] : memref<320000xi32, #tpu.memory_space<hbm>> -> memref<80xi32, #tpu.memory_space<hbm>>
    tpu.enqueue_dma source(%dma_start3A_32 : memref<80xi32, #tpu.memory_space<hbm>>) target(%arg11 : memref<80xi32, #tpu.memory_space<vmem>>) target_semaphore(%arg18 : memref<!tpu.dma_semaphore, #tpu.memory_space<semaphore_mem>>)
    %dma_start3A_33 = arith.constant 0 : i32
    %dma_start3A_34 = tpu.memref_slice %arg10[%dma_start3A_33] : memref<10000xi32, #tpu.memory_space<vmem>> -> memref<80xi32, #tpu.memory_space<vmem>>
    %dma_start3A_35 = arith.constant 0 : i32
    %dma_start3A_36 = arith.constant 0 : i32
    %dma_start3A_37 = tpu.memref_slice %arg2[%dma_start3A_35, %dma_start3A_36] : memref<10000x128xf32, #tpu.memory_space<hbm>> -> memref<10000x128xf32, #tpu.memory_space<hbm>>
    tpu.enqueue_indirect_dma source(%dma_start3A_37 : memref<10000x128xf32, #tpu.memory_space<hbm>>) target(%arg7 : memref<80x128xf32, #tpu.memory_space<vmem>>) offsets(%dma_start3A_34 : memref<80xi32, #tpu.memory_space<vmem>>) semaphore(%arg15 : memref<!tpu.dma_semaphore, #tpu.memory_space<semaphore_mem>>)
    %add3A_38 = arith.constant 80 : i32
    %add3A_39 = arith.addi %mul3A_2, %add3A_38 : i32
    %dma_start3A_40 = tpu.memref_slice %arg4[%add3A_39] : memref<320000xi32, #tpu.memory_space<hbm>> -> memref<80xi32, #tpu.memory_space<hbm>>
    %dma_start3A_41 = tpu.memref_slice %arg4[%add3A_39] : memref<320000xi32, #tpu.memory_space<hbm>> -> memref<80xi32, #tpu.memory_space<hbm>>
    tpu.enqueue_dma source(%dma_start3A_41 : memref<80xi32, #tpu.memory_space<hbm>>) target(%arg12 : memref<80xi32, #tpu.memory_space<vmem>>) target_semaphore(%arg19 : memref<!tpu.dma_semaphore, #tpu.memory_space<semaphore_mem>>)
    %dma_start3A_42 = arith.constant 80 : i32
    %dma_start3A_43 = tpu.memref_slice %arg10[%dma_start3A_42] : memref<10000xi32, #tpu.memory_space<vmem>> -> memref<80xi32, #tpu.memory_space<vmem>>
    %dma_start3A_44 = arith.constant 0 : i32
    %dma_start3A_45 = arith.constant 0 : i32
    %dma_start3A_46 = tpu.memref_slice %arg2[%dma_start3A_44, %dma_start3A_45] : memref<10000x128xf32, #tpu.memory_space<hbm>> -> memref<10000x128xf32, #tpu.memory_space<hbm>>
    tpu.enqueue_indirect_dma source(%dma_start3A_46 : memref<10000x128xf32, #tpu.memory_space<hbm>>) target(%arg8 : memref<80x128xf32, #tpu.memory_space<vmem>>) offsets(%dma_start3A_43 : memref<80xi32, #tpu.memory_space<vmem>>) semaphore(%arg16 : memref<!tpu.dma_semaphore, #tpu.memory_space<semaphore_mem>>)
    %add3A_47 = arith.constant 160 : i32
    %add3A_48 = arith.addi %mul3A_2, %add3A_47 : i32
    %dma_start3A_49 = tpu.memref_slice %arg4[%add3A_48] : memref<320000xi32, #tpu.memory_space<hbm>> -> memref<80xi32, #tpu.memory_space<hbm>>
    %dma_start3A_50 = tpu.memref_slice %arg4[%add3A_48] : memref<320000xi32, #tpu.memory_space<hbm>> -> memref<80xi32, #tpu.memory_space<hbm>>
    tpu.enqueue_dma source(%dma_start3A_50 : memref<80xi32, #tpu.memory_space<hbm>>) target(%arg13 : memref<80xi32, #tpu.memory_space<vmem>>) target_semaphore(%arg20 : memref<!tpu.dma_semaphore, #tpu.memory_space<semaphore_mem>>)
    %dma_start3A_51 = arith.constant 160 : i32
    %dma_start3A_52 = tpu.memref_slice %arg10[%dma_start3A_51] : memref<10000xi32, #tpu.memory_space<vmem>> -> memref<80xi32, #tpu.memory_space<vmem>>
    %dma_start3A_53 = arith.constant 0 : i32
    %dma_start3A_54 = arith.constant 0 : i32
    %dma_start3A_55 = tpu.memref_slice %arg2[%dma_start3A_53, %dma_start3A_54] : memref<10000x128xf32, #tpu.memory_space<hbm>> -> memref<10000x128xf32, #tpu.memory_space<hbm>>
    tpu.enqueue_indirect_dma source(%dma_start3A_55 : memref<10000x128xf32, #tpu.memory_space<hbm>>) target(%arg9 : memref<80x128xf32, #tpu.memory_space<vmem>>) offsets(%dma_start3A_52 : memref<80xi32, #tpu.memory_space<vmem>>) semaphore(%arg17 : memref<!tpu.dma_semaphore, #tpu.memory_space<semaphore_mem>>)
    %scan3A_56 = arith.constant 0 : i32
    %scan3A_57 = arith.constant 40 : i32
    %scan3A_58 = arith.addi %scan3A_56, %scan3A_57 : i32
    %scan3A_59 = arith.constant 1 : i32
    scf.for %scan3A_132 = %scan3A_56 to %scan3A_58 step %scan3A_59  : i32 {
      %mul3A_133 = arith.constant 1 : i32
      %mul3A_134 = arith.muli %scan3A_132, %mul3A_133 : i32
      %add3A_135 = arith.constant 0 : i32
      %add3A_136 = arith.addi %add3A_135, %mul3A_134 : i32
      %mul3A_137 = arith.constant 3 : i32
      %mul3A_138 = arith.muli %mul3A_137, %add3A_136 : i32
      %add3A_139 = arith.constant 0 : i32
      %add3A_140 = arith.addi %mul3A_138, %add3A_139 : i32
      %dma_wait3A_141 = arith.constant 0 : i32
      %dma_wait3A_142 = tpu.memref_slice %arg4[%dma_wait3A_141] : memref<320000xi32, #tpu.memory_space<hbm>> -> memref<80xi32, #tpu.memory_space<hbm>>
      %dma_wait3A_143 = arith.constant 0 : i32
      %dma_wait3A_144 = tpu.memref_slice %arg4[%dma_wait3A_143] : memref<320000xi32, #tpu.memory_space<hbm>> -> memref<80xi32, #tpu.memory_space<hbm>>
      tpu.wait_dma2 semaphore(%arg18 : memref<!tpu.dma_semaphore, #tpu.memory_space<semaphore_mem>>) src(%dma_wait3A_144 : memref<80xi32, #tpu.memory_space<hbm>>) dst(%arg11 : memref<80xi32, #tpu.memory_space<vmem>>)
      %dma_wait3A_145 = arith.constant 0 : i32
      %dma_wait3A_146 = arith.constant 0 : i32
      %dma_wait3A_147 = tpu.memref_slice %arg2[%dma_wait3A_145, %dma_wait3A_146] : memref<10000x128xf32, #tpu.memory_space<hbm>> -> memref<80x128xf32, #tpu.memory_space<hbm>>
      %dma_wait3A_148 = arith.constant 0 : i32
      %dma_wait3A_149 = arith.constant 0 : i32
      %dma_wait3A_150 = tpu.memref_slice %arg2[%dma_wait3A_148, %dma_wait3A_149] : memref<10000x128xf32, #tpu.memory_space<hbm>> -> memref<80x128xf32, #tpu.memory_space<hbm>>
      tpu.wait_dma2 semaphore(%arg15 : memref<!tpu.dma_semaphore, #tpu.memory_space<semaphore_mem>>) src(%dma_wait3A_150 : memref<80x128xf32, #tpu.memory_space<hbm>>) dst(%arg7 : memref<80x128xf32, #tpu.memory_space<vmem>>)
      "tpu.region"() ({
        %run_scoped3A = tpu.sem_alloc : memref<!tpu.dma_semaphore, #tpu.memory_space<semaphore_mem>>
        %dma_start3A_218 = arith.constant 0 : i32
        %dma_start3A_219 = arith.constant 0 : i32
        %dma_start3A_220 = tpu.memref_slice %arg6[%dma_start3A_218, %dma_start3A_219] : memref<10240x128xf32, #tpu.memory_space<vmem_shared>> -> memref<10240x128xf32, #tpu.memory_space<vmem_shared>>
        tpu.enqueue_indirect_dma source(%arg7 : memref<80x128xf32, #tpu.memory_space<vmem>>) target(%dma_start3A_220 : memref<10240x128xf32, #tpu.memory_space<vmem_shared>>) offsets(%arg11 : memref<80xi32, #tpu.memory_space<vmem>>) semaphore(%run_scoped3A : memref<!tpu.dma_semaphore, #tpu.memory_space<semaphore_mem>>) {add = true}
        %dma_wait3A_221 = arith.constant 0 : i32
        %dma_wait3A_222 = arith.constant 0 : i32
        %dma_wait3A_223 = tpu.memref_slice %arg6[%dma_wait3A_221, %dma_wait3A_222] : memref<10240x128xf32, #tpu.memory_space<vmem_shared>> -> memref<10240x128xf32, #tpu.memory_space<vmem_shared>>
        tpu.wait_indirect_dma semaphore(%run_scoped3A : memref<!tpu.dma_semaphore, #tpu.memory_space<semaphore_mem>>) src(%arg7 : memref<80x128xf32, #tpu.memory_space<vmem>>) dst(%dma_wait3A_223 : memref<10240x128xf32, #tpu.memory_space<vmem_shared>>)
        tpu.yield
      }) : () -> ()
      %add3A_151 = arith.constant 3 : i32
      %add3A_152 = arith.addi %add3A_140, %add3A_151 : i32
      %mul3A_153 = arith.constant 80 : i32
      %mul3A_154 = arith.muli %add3A_152, %mul3A_153 : i32
      %add3A_155 = arith.addi %mul3A_2, %mul3A_154 : i32
      %dma_start3A_156 = tpu.memref_slice %arg4[%add3A_155] : memref<320000xi32, #tpu.memory_space<hbm>> -> memref<80xi32, #tpu.memory_space<hbm>>
      %dma_start3A_157 = tpu.memref_slice %arg4[%add3A_155] : memref<320000xi32, #tpu.memory_space<hbm>> -> memref<80xi32, #tpu.memory_space<hbm>>
      tpu.enqueue_dma source(%dma_start3A_157 : memref<80xi32, #tpu.memory_space<hbm>>) target(%arg11 : memref<80xi32, #tpu.memory_space<vmem>>) target_semaphore(%arg18 : memref<!tpu.dma_semaphore, #tpu.memory_space<semaphore_mem>>)
      %mul3A_158 = arith.constant 80 : i32
      %mul3A_159 = arith.muli %add3A_152, %mul3A_158 : i32
      %dma_start3A_160 = tpu.memref_slice %arg10[%mul3A_159] : memref<10000xi32, #tpu.memory_space<vmem>> -> memref<80xi32, #tpu.memory_space<vmem>>
      %dma_start3A_161 = arith.constant 0 : i32
      %dma_start3A_162 = arith.constant 0 : i32
      %dma_start3A_163 = tpu.memref_slice %arg2[%dma_start3A_161, %dma_start3A_162] : memref<10000x128xf32, #tpu.memory_space<hbm>> -> memref<10000x128xf32, #tpu.memory_space<hbm>>
      tpu.enqueue_indirect_dma source(%dma_start3A_163 : memref<10000x128xf32, #tpu.memory_space<hbm>>) target(%arg7 : memref<80x128xf32, #tpu.memory_space<vmem>>) offsets(%dma_start3A_160 : memref<80xi32, #tpu.memory_space<vmem>>) semaphore(%arg15 : memref<!tpu.dma_semaphore, #tpu.memory_space<semaphore_mem>>)
      %mul3A_164 = arith.constant 3 : i32
      %mul3A_165 = arith.muli %mul3A_164, %add3A_136 : i32
      %add3A_166 = arith.constant 1 : i32
      %add3A_167 = arith.addi %mul3A_165, %add3A_166 : i32
      %dma_wait3A_168 = arith.constant 0 : i32
      %dma_wait3A_169 = tpu.memref_slice %arg4[%dma_wait3A_168] : memref<320000xi32, #tpu.memory_space<hbm>> -> memref<80xi32, #tpu.memory_space<hbm>>
      %dma_wait3A_170 = arith.constant 0 : i32
      %dma_wait3A_171 = tpu.memref_slice %arg4[%dma_wait3A_170] : memref<320000xi32, #tpu.memory_space<hbm>> -> memref<80xi32, #tpu.memory_space<hbm>>
      tpu.wait_dma2 semaphore(%arg19 : memref<!tpu.dma_semaphore, #tpu.memory_space<semaphore_mem>>) src(%dma_wait3A_171 : memref<80xi32, #tpu.memory_space<hbm>>) dst(%arg12 : memref<80xi32, #tpu.memory_space<vmem>>)
      %dma_wait3A_172 = arith.constant 0 : i32
      %dma_wait3A_173 = arith.constant 0 : i32
      %dma_wait3A_174 = tpu.memref_slice %arg2[%dma_wait3A_172, %dma_wait3A_173] : memref<10000x128xf32, #tpu.memory_space<hbm>> -> memref<80x128xf32, #tpu.memory_space<hbm>>
      %dma_wait3A_175 = arith.constant 0 : i32
      %dma_wait3A_176 = arith.constant 0 : i32
      %dma_wait3A_177 = tpu.memref_slice %arg2[%dma_wait3A_175, %dma_wait3A_176] : memref<10000x128xf32, #tpu.memory_space<hbm>> -> memref<80x128xf32, #tpu.memory_space<hbm>>
      tpu.wait_dma2 semaphore(%arg16 : memref<!tpu.dma_semaphore, #tpu.memory_space<semaphore_mem>>) src(%dma_wait3A_177 : memref<80x128xf32, #tpu.memory_space<hbm>>) dst(%arg8 : memref<80x128xf32, #tpu.memory_space<vmem>>)
      "tpu.region"() ({
        %run_scoped3A = tpu.sem_alloc : memref<!tpu.dma_semaphore, #tpu.memory_space<semaphore_mem>>
        %dma_start3A_218 = arith.constant 0 : i32
        %dma_start3A_219 = arith.constant 0 : i32
        %dma_start3A_220 = tpu.memref_slice %arg6[%dma_start3A_218, %dma_start3A_219] : memref<10240x128xf32, #tpu.memory_space<vmem_shared>> -> memref<10240x128xf32, #tpu.memory_space<vmem_shared>>
        tpu.enqueue_indirect_dma source(%arg8 : memref<80x128xf32, #tpu.memory_space<vmem>>) target(%dma_start3A_220 : memref<10240x128xf32, #tpu.memory_space<vmem_shared>>) offsets(%arg12 : memref<80xi32, #tpu.memory_space<vmem>>) semaphore(%run_scoped3A : memref<!tpu.dma_semaphore, #tpu.memory_space<semaphore_mem>>) {add = true}
        %dma_wait3A_221 = arith.constant 0 : i32
        %dma_wait3A_222 = arith.constant 0 : i32
        %dma_wait3A_223 = tpu.memref_slice %arg6[%dma_wait3A_221, %dma_wait3A_222] : memref<10240x128xf32, #tpu.memory_space<vmem_shared>> -> memref<10240x128xf32, #tpu.memory_space<vmem_shared>>
        tpu.wait_indirect_dma semaphore(%run_scoped3A : memref<!tpu.dma_semaphore, #tpu.memory_space<semaphore_mem>>) src(%arg8 : memref<80x128xf32, #tpu.memory_space<vmem>>) dst(%dma_wait3A_223 : memref<10240x128xf32, #tpu.memory_space<vmem_shared>>)
        tpu.yield
      }) : () -> ()
      %add3A_178 = arith.constant 3 : i32
      %add3A_179 = arith.addi %add3A_167, %add3A_178 : i32
      %mul3A_180 = arith.constant 80 : i32
      %mul3A_181 = arith.muli %add3A_179, %mul3A_180 : i32
      %add3A_182 = arith.addi %mul3A_2, %mul3A_181 : i32
      %dma_start3A_183 = tpu.memref_slice %arg4[%add3A_182] : memref<320000xi32, #tpu.memory_space<hbm>> -> memref<80xi32, #tpu.memory_space<hbm>>
      %dma_start3A_184 = tpu.memref_slice %arg4[%add3A_182] : memref<320000xi32, #tpu.memory_space<hbm>> -> memref<80xi32, #tpu.memory_space<hbm>>
      tpu.enqueue_dma source(%dma_start3A_184 : memref<80xi32, #tpu.memory_space<hbm>>) target(%arg12 : memref<80xi32, #tpu.memory_space<vmem>>) target_semaphore(%arg19 : memref<!tpu.dma_semaphore, #tpu.memory_space<semaphore_mem>>)
      %mul3A_185 = arith.constant 80 : i32
      %mul3A_186 = arith.muli %add3A_179, %mul3A_185 : i32
      %dma_start3A_187 = tpu.memref_slice %arg10[%mul3A_186] : memref<10000xi32, #tpu.memory_space<vmem>> -> memref<80xi32, #tpu.memory_space<vmem>>
      %dma_start3A_188 = arith.constant 0 : i32
      %dma_start3A_189 = arith.constant 0 : i32
      %dma_start3A_190 = tpu.memref_slice %arg2[%dma_start3A_188, %dma_start3A_189] : memref<10000x128xf32, #tpu.memory_space<hbm>> -> memref<10000x128xf32, #tpu.memory_space<hbm>>
      tpu.enqueue_indirect_dma source(%dma_start3A_190 : memref<10000x128xf32, #tpu.memory_space<hbm>>) target(%arg8 : memref<80x128xf32, #tpu.memory_space<vmem>>) offsets(%dma_start3A_187 : memref<80xi32, #tpu.memory_space<vmem>>) semaphore(%arg16 : memref<!tpu.dma_semaphore, #tpu.memory_space<semaphore_mem>>)
      %mul3A_191 = arith.constant 3 : i32
      %mul3A_192 = arith.muli %mul3A_191, %add3A_136 : i32
      %add3A_193 = arith.constant 2 : i32
      %add3A_194 = arith.addi %mul3A_192, %add3A_193 : i32
      %dma_wait3A_195 = arith.constant 0 : i32
      %dma_wait3A_196 = tpu.memref_slice %arg4[%dma_wait3A_195] : memref<320000xi32, #tpu.memory_space<hbm>> -> memref<80xi32, #tpu.memory_space<hbm>>
      %dma_wait3A_197 = arith.constant 0 : i32
      %dma_wait3A_198 = tpu.memref_slice %arg4[%dma_wait3A_197] : memref<320000xi32, #tpu.memory_space<hbm>> -> memref<80xi32, #tpu.memory_space<hbm>>
      tpu.wait_dma2 semaphore(%arg20 : memref<!tpu.dma_semaphore, #tpu.memory_space<semaphore_mem>>) src(%dma_wait3A_198 : memref<80xi32, #tpu.memory_space<hbm>>) dst(%arg13 : memref<80xi32, #tpu.memory_space<vmem>>)
      %dma_wait3A_199 = arith.constant 0 : i32
      %dma_wait3A_200 = arith.constant 0 : i32
      %dma_wait3A_201 = tpu.memref_slice %arg2[%dma_wait3A_199, %dma_wait3A_200] : memref<10000x128xf32, #tpu.memory_space<hbm>> -> memref<80x128xf32, #tpu.memory_space<hbm>>
      %dma_wait3A_202 = arith.constant 0 : i32
      %dma_wait3A_203 = arith.constant 0 : i32
      %dma_wait3A_204 = tpu.memref_slice %arg2[%dma_wait3A_202, %dma_wait3A_203] : memref<10000x128xf32, #tpu.memory_space<hbm>> -> memref<80x128xf32, #tpu.memory_space<hbm>>
      tpu.wait_dma2 semaphore(%arg17 : memref<!tpu.dma_semaphore, #tpu.memory_space<semaphore_mem>>) src(%dma_wait3A_204 : memref<80x128xf32, #tpu.memory_space<hbm>>) dst(%arg9 : memref<80x128xf32, #tpu.memory_space<vmem>>)
      "tpu.region"() ({
        %run_scoped3A = tpu.sem_alloc : memref<!tpu.dma_semaphore, #tpu.memory_space<semaphore_mem>>
        %dma_start3A_218 = arith.constant 0 : i32
        %dma_start3A_219 = arith.constant 0 : i32
        %dma_start3A_220 = tpu.memref_slice %arg6[%dma_start3A_218, %dma_start3A_219] : memref<10240x128xf32, #tpu.memory_space<vmem_shared>> -> memref<10240x128xf32, #tpu.memory_space<vmem_shared>>
        tpu.enqueue_indirect_dma source(%arg9 : memref<80x128xf32, #tpu.memory_space<vmem>>) target(%dma_start3A_220 : memref<10240x128xf32, #tpu.memory_space<vmem_shared>>) offsets(%arg13 : memref<80xi32, #tpu.memory_space<vmem>>) semaphore(%run_scoped3A : memref<!tpu.dma_semaphore, #tpu.memory_space<semaphore_mem>>) {add = true}
        %dma_wait3A_221 = arith.constant 0 : i32
        %dma_wait3A_222 = arith.constant 0 : i32
        %dma_wait3A_223 = tpu.memref_slice %arg6[%dma_wait3A_221, %dma_wait3A_222] : memref<10240x128xf32, #tpu.memory_space<vmem_shared>> -> memref<10240x128xf32, #tpu.memory_space<vmem_shared>>
        tpu.wait_indirect_dma semaphore(%run_scoped3A : memref<!tpu.dma_semaphore, #tpu.memory_space<semaphore_mem>>) src(%arg9 : memref<80x128xf32, #tpu.memory_space<vmem>>) dst(%dma_wait3A_223 : memref<10240x128xf32, #tpu.memory_space<vmem_shared>>)
        tpu.yield
      }) : () -> ()
      %add3A_205 = arith.constant 3 : i32
      %add3A_206 = arith.addi %add3A_194, %add3A_205 : i32
      %mul3A_207 = arith.constant 80 : i32
      %mul3A_208 = arith.muli %add3A_206, %mul3A_207 : i32
      %add3A_209 = arith.addi %mul3A_2, %mul3A_208 : i32
      %dma_start3A_210 = tpu.memref_slice %arg4[%add3A_209] : memref<320000xi32, #tpu.memory_space<hbm>> -> memref<80xi32, #tpu.memory_space<hbm>>
      %dma_start3A_211 = tpu.memref_slice %arg4[%add3A_209] : memref<320000xi32, #tpu.memory_space<hbm>> -> memref<80xi32, #tpu.memory_space<hbm>>
      tpu.enqueue_dma source(%dma_start3A_211 : memref<80xi32, #tpu.memory_space<hbm>>) target(%arg13 : memref<80xi32, #tpu.memory_space<vmem>>) target_semaphore(%arg20 : memref<!tpu.dma_semaphore, #tpu.memory_space<semaphore_mem>>)
      %mul3A_212 = arith.constant 80 : i32
      %mul3A_213 = arith.muli %add3A_206, %mul3A_212 : i32
      %dma_start3A_214 = tpu.memref_slice %arg10[%mul3A_213] : memref<10000xi32, #tpu.memory_space<vmem>> -> memref<80xi32, #tpu.memory_space<vmem>>
      %dma_start3A_215 = arith.constant 0 : i32
      %dma_start3A_216 = arith.constant 0 : i32
      %dma_start3A_217 = tpu.memref_slice %arg2[%dma_start3A_215, %dma_start3A_216] : memref<10000x128xf32, #tpu.memory_space<hbm>> -> memref<10000x128xf32, #tpu.memory_space<hbm>>
      tpu.enqueue_indirect_dma source(%dma_start3A_217 : memref<10000x128xf32, #tpu.memory_space<hbm>>) target(%arg9 : memref<80x128xf32, #tpu.memory_space<vmem>>) offsets(%dma_start3A_214 : memref<80xi32, #tpu.memory_space<vmem>>) semaphore(%arg17 : memref<!tpu.dma_semaphore, #tpu.memory_space<semaphore_mem>>)
    }
    %scan3A_60 = arith.constant 40 : i32
    %dma_wait3A = arith.constant 0 : i32
    %dma_wait3A_61 = tpu.memref_slice %arg4[%dma_wait3A] : memref<320000xi32, #tpu.memory_space<hbm>> -> memref<80xi32, #tpu.memory_space<hbm>>
    %dma_wait3A_62 = arith.constant 0 : i32
    %dma_wait3A_63 = tpu.memref_slice %arg4[%dma_wait3A_62] : memref<320000xi32, #tpu.memory_space<hbm>> -> memref<80xi32, #tpu.memory_space<hbm>>
    tpu.wait_dma2 semaphore(%arg18 : memref<!tpu.dma_semaphore, #tpu.memory_space<semaphore_mem>>) src(%dma_wait3A_63 : memref<80xi32, #tpu.memory_space<hbm>>) dst(%arg11 : memref<80xi32, #tpu.memory_space<vmem>>)
    %dma_wait3A_64 = arith.constant 0 : i32
    %dma_wait3A_65 = arith.constant 0 : i32
    %dma_wait3A_66 = tpu.memref_slice %arg2[%dma_wait3A_64, %dma_wait3A_65] : memref<10000x128xf32, #tpu.memory_space<hbm>> -> memref<80x128xf32, #tpu.memory_space<hbm>>
    %dma_wait3A_67 = arith.constant 0 : i32
    %dma_wait3A_68 = arith.constant 0 : i32
    %dma_wait3A_69 = tpu.memref_slice %arg2[%dma_wait3A_67, %dma_wait3A_68] : memref<10000x128xf32, #tpu.memory_space<hbm>> -> memref<80x128xf32, #tpu.memory_space<hbm>>
    tpu.wait_dma2 semaphore(%arg15 : memref<!tpu.dma_semaphore, #tpu.memory_space<semaphore_mem>>) src(%dma_wait3A_69 : memref<80x128xf32, #tpu.memory_space<hbm>>) dst(%arg7 : memref<80x128xf32, #tpu.memory_space<vmem>>)
    "tpu.region"() ({
      %run_scoped3A = tpu.sem_alloc : memref<!tpu.dma_semaphore, #tpu.memory_space<semaphore_mem>>
      %dma_start3A_132 = arith.constant 0 : i32
      %dma_start3A_133 = arith.constant 0 : i32
      %dma_start3A_134 = tpu.memref_slice %arg6[%dma_start3A_132, %dma_start3A_133] : memref<10240x128xf32, #tpu.memory_space<vmem_shared>> -> memref<10240x128xf32, #tpu.memory_space<vmem_shared>>
      tpu.enqueue_indirect_dma source(%arg7 : memref<80x128xf32, #tpu.memory_space<vmem>>) target(%dma_start3A_134 : memref<10240x128xf32, #tpu.memory_space<vmem_shared>>) offsets(%arg11 : memref<80xi32, #tpu.memory_space<vmem>>) semaphore(%run_scoped3A : memref<!tpu.dma_semaphore, #tpu.memory_space<semaphore_mem>>) {add = true}
      %dma_wait3A_135 = arith.constant 0 : i32
      %dma_wait3A_136 = arith.constant 0 : i32
      %dma_wait3A_137 = tpu.memref_slice %arg6[%dma_wait3A_135, %dma_wait3A_136] : memref<10240x128xf32, #tpu.memory_space<vmem_shared>> -> memref<10240x128xf32, #tpu.memory_space<vmem_shared>>
      tpu.wait_indirect_dma semaphore(%run_scoped3A : memref<!tpu.dma_semaphore, #tpu.memory_space<semaphore_mem>>) src(%arg7 : memref<80x128xf32, #tpu.memory_space<vmem>>) dst(%dma_wait3A_137 : memref<10240x128xf32, #tpu.memory_space<vmem_shared>>)
      tpu.yield
    }) : () -> ()
    %add3A_70 = arith.constant 9840 : i32
    %add3A_71 = arith.addi %mul3A_2, %add3A_70 : i32
    %dma_start3A_72 = tpu.memref_slice %arg4[%add3A_71] : memref<320000xi32, #tpu.memory_space<hbm>> -> memref<80xi32, #tpu.memory_space<hbm>>
    %dma_start3A_73 = tpu.memref_slice %arg4[%add3A_71] : memref<320000xi32, #tpu.memory_space<hbm>> -> memref<80xi32, #tpu.memory_space<hbm>>
    tpu.enqueue_dma source(%dma_start3A_73 : memref<80xi32, #tpu.memory_space<hbm>>) target(%arg11 : memref<80xi32, #tpu.memory_space<vmem>>) target_semaphore(%arg18 : memref<!tpu.dma_semaphore, #tpu.memory_space<semaphore_mem>>)
    %dma_start3A_74 = arith.constant 9840 : i32
    %dma_start3A_75 = tpu.memref_slice %arg10[%dma_start3A_74] : memref<10000xi32, #tpu.memory_space<vmem>> -> memref<80xi32, #tpu.memory_space<vmem>>
    %dma_start3A_76 = arith.constant 0 : i32
    %dma_start3A_77 = arith.constant 0 : i32
    %dma_start3A_78 = tpu.memref_slice %arg2[%dma_start3A_76, %dma_start3A_77] : memref<10000x128xf32, #tpu.memory_space<hbm>> -> memref<10000x128xf32, #tpu.memory_space<hbm>>
    tpu.enqueue_indirect_dma source(%dma_start3A_78 : memref<10000x128xf32, #tpu.memory_space<hbm>>) target(%arg7 : memref<80x128xf32, #tpu.memory_space<vmem>>) offsets(%dma_start3A_75 : memref<80xi32, #tpu.memory_space<vmem>>) semaphore(%arg15 : memref<!tpu.dma_semaphore, #tpu.memory_space<semaphore_mem>>)
    %dma_wait3A_79 = arith.constant 0 : i32
    %dma_wait3A_80 = tpu.memref_slice %arg4[%dma_wait3A_79] : memref<320000xi32, #tpu.memory_space<hbm>> -> memref<80xi32, #tpu.memory_space<hbm>>
    %dma_wait3A_81 = arith.constant 0 : i32
    %dma_wait3A_82 = tpu.memref_slice %arg4[%dma_wait3A_81] : memref<320000xi32, #tpu.memory_space<hbm>> -> memref<80xi32, #tpu.memory_space<hbm>>
    tpu.wait_dma2 semaphore(%arg19 : memref<!tpu.dma_semaphore, #tpu.memory_space<semaphore_mem>>) src(%dma_wait3A_82 : memref<80xi32, #tpu.memory_space<hbm>>) dst(%arg12 : memref<80xi32, #tpu.memory_space<vmem>>)
    %dma_wait3A_83 = arith.constant 0 : i32
    %dma_wait3A_84 = arith.constant 0 : i32
    %dma_wait3A_85 = tpu.memref_slice %arg2[%dma_wait3A_83, %dma_wait3A_84] : memref<10000x128xf32, #tpu.memory_space<hbm>> -> memref<80x128xf32, #tpu.memory_space<hbm>>
    %dma_wait3A_86 = arith.constant 0 : i32
    %dma_wait3A_87 = arith.constant 0 : i32
    %dma_wait3A_88 = tpu.memref_slice %arg2[%dma_wait3A_86, %dma_wait3A_87] : memref<10000x128xf32, #tpu.memory_space<hbm>> -> memref<80x128xf32, #tpu.memory_space<hbm>>
    tpu.wait_dma2 semaphore(%arg16 : memref<!tpu.dma_semaphore, #tpu.memory_space<semaphore_mem>>) src(%dma_wait3A_88 : memref<80x128xf32, #tpu.memory_space<hbm>>) dst(%arg8 : memref<80x128xf32, #tpu.memory_space<vmem>>)
    "tpu.region"() ({
      %run_scoped3A = tpu.sem_alloc : memref<!tpu.dma_semaphore, #tpu.memory_space<semaphore_mem>>
      %dma_start3A_132 = arith.constant 0 : i32
      %dma_start3A_133 = arith.constant 0 : i32
      %dma_start3A_134 = tpu.memref_slice %arg6[%dma_start3A_132, %dma_start3A_133] : memref<10240x128xf32, #tpu.memory_space<vmem_shared>> -> memref<10240x128xf32, #tpu.memory_space<vmem_shared>>
      tpu.enqueue_indirect_dma source(%arg8 : memref<80x128xf32, #tpu.memory_space<vmem>>) target(%dma_start3A_134 : memref<10240x128xf32, #tpu.memory_space<vmem_shared>>) offsets(%arg12 : memref<80xi32, #tpu.memory_space<vmem>>) semaphore(%run_scoped3A : memref<!tpu.dma_semaphore, #tpu.memory_space<semaphore_mem>>) {add = true}
      %dma_wait3A_135 = arith.constant 0 : i32
      %dma_wait3A_136 = arith.constant 0 : i32
      %dma_wait3A_137 = tpu.memref_slice %arg6[%dma_wait3A_135, %dma_wait3A_136] : memref<10240x128xf32, #tpu.memory_space<vmem_shared>> -> memref<10240x128xf32, #tpu.memory_space<vmem_shared>>
      tpu.wait_indirect_dma semaphore(%run_scoped3A : memref<!tpu.dma_semaphore, #tpu.memory_space<semaphore_mem>>) src(%arg8 : memref<80x128xf32, #tpu.memory_space<vmem>>) dst(%dma_wait3A_137 : memref<10240x128xf32, #tpu.memory_space<vmem_shared>>)
      tpu.yield
    }) : () -> ()
    %add3A_89 = arith.constant 9920 : i32
    %add3A_90 = arith.addi %mul3A_2, %add3A_89 : i32
    %dma_start3A_91 = tpu.memref_slice %arg4[%add3A_90] : memref<320000xi32, #tpu.memory_space<hbm>> -> memref<80xi32, #tpu.memory_space<hbm>>
    %dma_start3A_92 = tpu.memref_slice %arg4[%add3A_90] : memref<320000xi32, #tpu.memory_space<hbm>> -> memref<80xi32, #tpu.memory_space<hbm>>
    tpu.enqueue_dma source(%dma_start3A_92 : memref<80xi32, #tpu.memory_space<hbm>>) target(%arg12 : memref<80xi32, #tpu.memory_space<vmem>>) target_semaphore(%arg19 : memref<!tpu.dma_semaphore, #tpu.memory_space<semaphore_mem>>)
    %dma_start3A_93 = arith.constant 9920 : i32
    %dma_start3A_94 = tpu.memref_slice %arg10[%dma_start3A_93] : memref<10000xi32, #tpu.memory_space<vmem>> -> memref<80xi32, #tpu.memory_space<vmem>>
    %dma_start3A_95 = arith.constant 0 : i32
    %dma_start3A_96 = arith.constant 0 : i32
    %dma_start3A_97 = tpu.memref_slice %arg2[%dma_start3A_95, %dma_start3A_96] : memref<10000x128xf32, #tpu.memory_space<hbm>> -> memref<10000x128xf32, #tpu.memory_space<hbm>>
    tpu.enqueue_indirect_dma source(%dma_start3A_97 : memref<10000x128xf32, #tpu.memory_space<hbm>>) target(%arg8 : memref<80x128xf32, #tpu.memory_space<vmem>>) offsets(%dma_start3A_94 : memref<80xi32, #tpu.memory_space<vmem>>) semaphore(%arg16 : memref<!tpu.dma_semaphore, #tpu.memory_space<semaphore_mem>>)
    %dma_wait3A_98 = arith.constant 0 : i32
    %dma_wait3A_99 = tpu.memref_slice %arg4[%dma_wait3A_98] : memref<320000xi32, #tpu.memory_space<hbm>> -> memref<80xi32, #tpu.memory_space<hbm>>
    %dma_wait3A_100 = arith.constant 0 : i32
    %dma_wait3A_101 = tpu.memref_slice %arg4[%dma_wait3A_100] : memref<320000xi32, #tpu.memory_space<hbm>> -> memref<80xi32, #tpu.memory_space<hbm>>
    tpu.wait_dma2 semaphore(%arg20 : memref<!tpu.dma_semaphore, #tpu.memory_space<semaphore_mem>>) src(%dma_wait3A_101 : memref<80xi32, #tpu.memory_space<hbm>>) dst(%arg13 : memref<80xi32, #tpu.memory_space<vmem>>)
    %dma_wait3A_102 = arith.constant 0 : i32
    %dma_wait3A_103 = arith.constant 0 : i32
    %dma_wait3A_104 = tpu.memref_slice %arg2[%dma_wait3A_102, %dma_wait3A_103] : memref<10000x128xf32, #tpu.memory_space<hbm>> -> memref<80x128xf32, #tpu.memory_space<hbm>>
    %dma_wait3A_105 = arith.constant 0 : i32
    %dma_wait3A_106 = arith.constant 0 : i32
    %dma_wait3A_107 = tpu.memref_slice %arg2[%dma_wait3A_105, %dma_wait3A_106] : memref<10000x128xf32, #tpu.memory_space<hbm>> -> memref<80x128xf32, #tpu.memory_space<hbm>>
    tpu.wait_dma2 semaphore(%arg17 : memref<!tpu.dma_semaphore, #tpu.memory_space<semaphore_mem>>) src(%dma_wait3A_107 : memref<80x128xf32, #tpu.memory_space<hbm>>) dst(%arg9 : memref<80x128xf32, #tpu.memory_space<vmem>>)
    "tpu.region"() ({
      %run_scoped3A = tpu.sem_alloc : memref<!tpu.dma_semaphore, #tpu.memory_space<semaphore_mem>>
      %dma_start3A_132 = arith.constant 0 : i32
      %dma_start3A_133 = arith.constant 0 : i32
      %dma_start3A_134 = tpu.memref_slice %arg6[%dma_start3A_132, %dma_start3A_133] : memref<10240x128xf32, #tpu.memory_space<vmem_shared>> -> memref<10240x128xf32, #tpu.memory_space<vmem_shared>>
      tpu.enqueue_indirect_dma source(%arg9 : memref<80x128xf32, #tpu.memory_space<vmem>>) target(%dma_start3A_134 : memref<10240x128xf32, #tpu.memory_space<vmem_shared>>) offsets(%arg13 : memref<80xi32, #tpu.memory_space<vmem>>) semaphore(%run_scoped3A : memref<!tpu.dma_semaphore, #tpu.memory_space<semaphore_mem>>) {add = true}
      %dma_wait3A_135 = arith.constant 0 : i32
      %dma_wait3A_136 = arith.constant 0 : i32
      %dma_wait3A_137 = tpu.memref_slice %arg6[%dma_wait3A_135, %dma_wait3A_136] : memref<10240x128xf32, #tpu.memory_space<vmem_shared>> -> memref<10240x128xf32, #tpu.memory_space<vmem_shared>>
      tpu.wait_indirect_dma semaphore(%run_scoped3A : memref<!tpu.dma_semaphore, #tpu.memory_space<semaphore_mem>>) src(%arg9 : memref<80x128xf32, #tpu.memory_space<vmem>>) dst(%dma_wait3A_137 : memref<10240x128xf32, #tpu.memory_space<vmem_shared>>)
      tpu.yield
    }) : () -> ()
    %dma_wait3A_108 = arith.constant 0 : i32
    %dma_wait3A_109 = tpu.memref_slice %arg4[%dma_wait3A_108] : memref<320000xi32, #tpu.memory_space<hbm>> -> memref<80xi32, #tpu.memory_space<hbm>>
    %dma_wait3A_110 = arith.constant 0 : i32
    %dma_wait3A_111 = tpu.memref_slice %arg4[%dma_wait3A_110] : memref<320000xi32, #tpu.memory_space<hbm>> -> memref<80xi32, #tpu.memory_space<hbm>>
    tpu.wait_dma2 semaphore(%arg18 : memref<!tpu.dma_semaphore, #tpu.memory_space<semaphore_mem>>) src(%dma_wait3A_111 : memref<80xi32, #tpu.memory_space<hbm>>) dst(%arg11 : memref<80xi32, #tpu.memory_space<vmem>>)
    %dma_wait3A_112 = arith.constant 0 : i32
    %dma_wait3A_113 = arith.constant 0 : i32
    %dma_wait3A_114 = tpu.memref_slice %arg2[%dma_wait3A_112, %dma_wait3A_113] : memref<10000x128xf32, #tpu.memory_space<hbm>> -> memref<80x128xf32, #tpu.memory_space<hbm>>
    %dma_wait3A_115 = arith.constant 0 : i32
    %dma_wait3A_116 = arith.constant 0 : i32
    %dma_wait3A_117 = tpu.memref_slice %arg2[%dma_wait3A_115, %dma_wait3A_116] : memref<10000x128xf32, #tpu.memory_space<hbm>> -> memref<80x128xf32, #tpu.memory_space<hbm>>
    tpu.wait_dma2 semaphore(%arg15 : memref<!tpu.dma_semaphore, #tpu.memory_space<semaphore_mem>>) src(%dma_wait3A_117 : memref<80x128xf32, #tpu.memory_space<hbm>>) dst(%arg7 : memref<80x128xf32, #tpu.memory_space<vmem>>)
    "tpu.region"() ({
      %run_scoped3A = tpu.sem_alloc : memref<!tpu.dma_semaphore, #tpu.memory_space<semaphore_mem>>
      %dma_start3A_132 = arith.constant 0 : i32
      %dma_start3A_133 = arith.constant 0 : i32
      %dma_start3A_134 = tpu.memref_slice %arg6[%dma_start3A_132, %dma_start3A_133] : memref<10240x128xf32, #tpu.memory_space<vmem_shared>> -> memref<10240x128xf32, #tpu.memory_space<vmem_shared>>
      tpu.enqueue_indirect_dma source(%arg7 : memref<80x128xf32, #tpu.memory_space<vmem>>) target(%dma_start3A_134 : memref<10240x128xf32, #tpu.memory_space<vmem_shared>>) offsets(%arg11 : memref<80xi32, #tpu.memory_space<vmem>>) semaphore(%run_scoped3A : memref<!tpu.dma_semaphore, #tpu.memory_space<semaphore_mem>>) {add = true}
      %dma_wait3A_135 = arith.constant 0 : i32
      %dma_wait3A_136 = arith.constant 0 : i32
      %dma_wait3A_137 = tpu.memref_slice %arg6[%dma_wait3A_135, %dma_wait3A_136] : memref<10240x128xf32, #tpu.memory_space<vmem_shared>> -> memref<10240x128xf32, #tpu.memory_space<vmem_shared>>
      tpu.wait_indirect_dma semaphore(%run_scoped3A : memref<!tpu.dma_semaphore, #tpu.memory_space<semaphore_mem>>) src(%arg7 : memref<80x128xf32, #tpu.memory_space<vmem>>) dst(%dma_wait3A_137 : memref<10240x128xf32, #tpu.memory_space<vmem_shared>>)
      tpu.yield
    }) : () -> ()
    %dma_wait3A_118 = arith.constant 0 : i32
    %dma_wait3A_119 = tpu.memref_slice %arg4[%dma_wait3A_118] : memref<320000xi32, #tpu.memory_space<hbm>> -> memref<80xi32, #tpu.memory_space<hbm>>
    %dma_wait3A_120 = arith.constant 0 : i32
    %dma_wait3A_121 = tpu.memref_slice %arg4[%dma_wait3A_120] : memref<320000xi32, #tpu.memory_space<hbm>> -> memref<80xi32, #tpu.memory_space<hbm>>
    tpu.wait_dma2 semaphore(%arg19 : memref<!tpu.dma_semaphore, #tpu.memory_space<semaphore_mem>>) src(%dma_wait3A_121 : memref<80xi32, #tpu.memory_space<hbm>>) dst(%arg12 : memref<80xi32, #tpu.memory_space<vmem>>)
    %dma_wait3A_122 = arith.constant 0 : i32
    %dma_wait3A_123 = arith.constant 0 : i32
    %dma_wait3A_124 = tpu.memref_slice %arg2[%dma_wait3A_122, %dma_wait3A_123] : memref<10000x128xf32, #tpu.memory_space<hbm>> -> memref<80x128xf32, #tpu.memory_space<hbm>>
    %dma_wait3A_125 = arith.constant 0 : i32
    %dma_wait3A_126 = arith.constant 0 : i32
    %dma_wait3A_127 = tpu.memref_slice %arg2[%dma_wait3A_125, %dma_wait3A_126] : memref<10000x128xf32, #tpu.memory_space<hbm>> -> memref<80x128xf32, #tpu.memory_space<hbm>>
    tpu.wait_dma2 semaphore(%arg16 : memref<!tpu.dma_semaphore, #tpu.memory_space<semaphore_mem>>) src(%dma_wait3A_127 : memref<80x128xf32, #tpu.memory_space<hbm>>) dst(%arg8 : memref<80x128xf32, #tpu.memory_space<vmem>>)
    "tpu.region"() ({
      %run_scoped3A = tpu.sem_alloc : memref<!tpu.dma_semaphore, #tpu.memory_space<semaphore_mem>>
      %dma_start3A_132 = arith.constant 0 : i32
      %dma_start3A_133 = arith.constant 0 : i32
      %dma_start3A_134 = tpu.memref_slice %arg6[%dma_start3A_132, %dma_start3A_133] : memref<10240x128xf32, #tpu.memory_space<vmem_shared>> -> memref<10240x128xf32, #tpu.memory_space<vmem_shared>>
      tpu.enqueue_indirect_dma source(%arg8 : memref<80x128xf32, #tpu.memory_space<vmem>>) target(%dma_start3A_134 : memref<10240x128xf32, #tpu.memory_space<vmem_shared>>) offsets(%arg12 : memref<80xi32, #tpu.memory_space<vmem>>) semaphore(%run_scoped3A : memref<!tpu.dma_semaphore, #tpu.memory_space<semaphore_mem>>) {add = true}
      %dma_wait3A_135 = arith.constant 0 : i32
      %dma_wait3A_136 = arith.constant 0 : i32
      %dma_wait3A_137 = tpu.memref_slice %arg6[%dma_wait3A_135, %dma_wait3A_136] : memref<10240x128xf32, #tpu.memory_space<vmem_shared>> -> memref<10240x128xf32, #tpu.memory_space<vmem_shared>>
      tpu.wait_indirect_dma semaphore(%run_scoped3A : memref<!tpu.dma_semaphore, #tpu.memory_space<semaphore_mem>>) src(%arg8 : memref<80x128xf32, #tpu.memory_space<vmem>>) dst(%dma_wait3A_137 : memref<10240x128xf32, #tpu.memory_space<vmem_shared>>)
      tpu.yield
    }) : () -> ()
    %barrier3A_128 = arith.constant 0 : index
    tpu.barrier barrier_id(%barrier3A_128)
    %mul3A_129 = arith.constant 10240 : i32
    %mul3A_130 = arith.muli %arg0, %mul3A_129 : i32
    %add3A_131 = arith.addi %mul3A_130, %mul3A_4 : i32
    "tpu.region"() ({
      %run_scoped3A = tpu.sem_alloc : memref<!tpu.dma_semaphore, #tpu.memory_space<semaphore_mem>>
      %dma_start3A_132 = arith.constant 0 : i32
      %dma_start3A_133 = tpu.memref_slice %arg5[%add3A_131, %dma_start3A_132] : memref<20480x128xf32, #tpu.memory_space<hbm>> -> memref<640x128xf32, #tpu.memory_space<hbm>>
      %dma_start3A_134 = arith.constant 0 : i32
      %dma_start3A_135 = tpu.memref_slice %arg6[%mul3A_4, %dma_start3A_134] : memref<10240x128xf32, #tpu.memory_space<vmem_shared>> -> memref<640x128xf32, #tpu.memory_space<vmem_shared>>
      tpu.enqueue_dma source(%dma_start3A_135 : memref<640x128xf32, #tpu.memory_space<vmem_shared>>) target(%dma_start3A_133 : memref<640x128xf32, #tpu.memory_space<hbm>>) target_semaphore(%run_scoped3A : memref<!tpu.dma_semaphore, #tpu.memory_space<semaphore_mem>>)
      %dma_wait3A_136 = arith.constant 0 : i32
      %dma_wait3A_137 = tpu.memref_slice %arg5[%add3A_131, %dma_wait3A_136] : memref<20480x128xf32, #tpu.memory_space<hbm>> -> memref<640x128xf32, #tpu.memory_space<hbm>>
      %dma_wait3A_138 = arith.constant 0 : i32
      %dma_wait3A_139 = tpu.memref_slice %arg6[%mul3A_4, %dma_wait3A_138] : memref<10240x128xf32, #tpu.memory_space<vmem_shared>> -> memref<640x128xf32, #tpu.memory_space<vmem_shared>>
      tpu.wait_dma2 semaphore(%run_scoped3A : memref<!tpu.dma_semaphore, #tpu.memory_space<semaphore_mem>>) src(%dma_wait3A_139 : memref<640x128xf32, #tpu.memory_space<vmem_shared>>) dst(%dma_wait3A_137 : memref<640x128xf32, #tpu.memory_space<hbm>>)
      tpu.yield
    }) : () -> ()
    return
  }
}

module attributes {stable_mosaic.version = 14 : i64} {
  func.func @_tc1_body(%arg0: i32, %arg1: memref<2x10240x128xf32, #tpu.memory_space<vmem>>, %arg2: memref<2x10240xf32, #tpu.memory_space<vmem>>, %arg3: memref<10000x128xf32, #tpu.memory_space<vmem>>, %arg4: memref<128x128xf32, #tpu.memory_space<vmem>>, %arg5: memref<1x128xf32, #tpu.memory_space<vmem>>, %arg6: memref<128x128xf32, #tpu.memory_space<vmem>>, %arg7: memref<10000x128xf32, #tpu.memory_space<vmem>>) attributes {dimension_semantics = [#tpu.dimension_semantics<arbitrary>], iteration_bounds = array<i64: 1>, scalar_prefetch = 0 : i64, scratch_operands = 0 : i64, tpu.core_type = #tpu.core_type<tc>, window_params = [{pipeline_mode = #tpu.pipeline_mode<synchronous>, transform_indices = @transform_0, window_bounds = array<i64: 2, 10240, 128>}, {pipeline_mode = #tpu.pipeline_mode<synchronous>, transform_indices = @transform_1, window_bounds = array<i64: 2, 10240>}, {pipeline_mode = #tpu.pipeline_mode<synchronous>, transform_indices = @transform_2, window_bounds = array<i64: 10000, 128>}, {pipeline_mode = #tpu.pipeline_mode<synchronous>, transform_indices = @transform_3, window_bounds = array<i64: 128, 128>}, {pipeline_mode = #tpu.pipeline_mode<synchronous>, transform_indices = @transform_4, window_bounds = array<i64: 1, 128>}, {pipeline_mode = #tpu.pipeline_mode<synchronous>, transform_indices = @transform_5, window_bounds = array<i64: 128, 128>}, {pipeline_mode = #tpu.pipeline_mode<synchronous>, transform_indices = @transform_6, window_bounds = array<i64: 10000, 128>}]} {
    %get3A = arith.constant 0 : index
    %get3A_0 = arith.constant 0 : index
    %get3A_1 = vector.load %arg2[%get3A, %get3A_0] : memref<2x10240xf32, #tpu.memory_space<vmem>>, vector<2x10240xf32>
    %reduce_sum3A = arith.constant dense<0.000000e+00> : vector<10240xf32>
    %reduce_sum3A_2 = vector.multi_reduction <add>, %get3A_1, %reduce_sum3A [0] : vector<2x10240xf32> to vector<10240xf32>
    %slice3A = vector.extract_strided_slice %reduce_sum3A_2 {offsets = [0], sizes = [10000], strides = [1]} : vector<10240xf32> to vector<10000xf32>
    %max3A = arith.constant 1.000000e+00 : f32
    %max3A_3 = vector.broadcast %max3A : f32 to vector<10000xf32>
    %max3A_4 = arith.maximumf %slice3A, %max3A_3 : vector<10000xf32>
    %div3A = arith.constant 1.000000e+00 : f32
    %div3A_5 = vector.broadcast %div3A : f32 to vector<10000xf32>
    %div3A_6 = arith.divf %div3A_5, %max3A_4 : vector<10000xf32>
    %get3A_7 = arith.constant 0 : index
    %get3A_8 = arith.constant 0 : index
    %get3A_9 = arith.constant 0 : index
    %get3A_10 = vector.load %arg1[%get3A_7, %get3A_8, %get3A_9] : memref<2x10240x128xf32, #tpu.memory_space<vmem>>, vector<1x10000x128xf32>
    %get3A_11 = vector.shape_cast %get3A_10 : vector<1x10000x128xf32> to vector<10000x128xf32>
    %get3A_12 = arith.constant 1 : index
    %get3A_13 = arith.constant 0 : index
    %get3A_14 = arith.constant 0 : index
    %get3A_15 = vector.load %arg1[%get3A_12, %get3A_13, %get3A_14] : memref<2x10240x128xf32, #tpu.memory_space<vmem>>, vector<1x10000x128xf32>
    %get3A_16 = vector.shape_cast %get3A_15 : vector<1x10000x128xf32> to vector<10000x128xf32>
    %add3A = arith.addf %get3A_11, %get3A_16 : vector<10000x128xf32>
    %broadcast_in_dim3A = vector.shape_cast %div3A_6 : vector<10000xf32> to vector<10000x1xf32>
    %mul3A = vector.broadcast %broadcast_in_dim3A : vector<10000x1xf32> to vector<10000x128xf32>
    %mul3A_17 = arith.mulf %add3A, %mul3A : vector<10000x128xf32>
    %get3A_18 = arith.constant 0 : index
    %get3A_19 = arith.constant 0 : index
    %get3A_20 = vector.load %arg4[%get3A_18, %get3A_19] : memref<128x128xf32, #tpu.memory_space<vmem>>, vector<128x128xf32>
    %dot_general3A = arith.constant dense<0.000000e+00> : vector<10000x128xf32>
    %dot_general3A_21 = tpu.matmul %mul3A_17, %get3A_20, %dot_general3A {dimension_numbers = #tpu.dot_dimension_numbers<[1], [0], [0], [1], [0, 0, 1, 1], [], []>, transpose_lhs_hint = false} : vector<10000x128xf32>, vector<128x128xf32>, vector<10000x128xf32> -> vector<10000x128xf32>
    %get3A_22 = arith.constant 0 : index
    %get3A_23 = arith.constant 0 : index
    %get3A_24 = vector.load %arg5[%get3A_22, %get3A_23] : memref<1x128xf32, #tpu.memory_space<vmem>>, vector<1x128xf32>
    %add3A_25 = vector.broadcast %get3A_24 : vector<1x128xf32> to vector<10000x128xf32>
    %add3A_26 = arith.addf %dot_general3A_21, %add3A_25 : vector<10000x128xf32>
    %get3A_27 = arith.constant 0 : index
    %get3A_28 = arith.constant 0 : index
    %get3A_29 = vector.load %arg3[%get3A_27, %get3A_28] : memref<10000x128xf32, #tpu.memory_space<vmem>>, vector<10000x128xf32>
    %get3A_30 = arith.constant 0 : index
    %get3A_31 = arith.constant 0 : index
    %get3A_32 = vector.load %arg6[%get3A_30, %get3A_31] : memref<128x128xf32, #tpu.memory_space<vmem>>, vector<128x128xf32>
    %dot_general3A_33 = arith.constant dense<0.000000e+00> : vector<10000x128xf32>
    %dot_general3A_34 = tpu.matmul %get3A_29, %get3A_32, %dot_general3A_33 {dimension_numbers = #tpu.dot_dimension_numbers<[1], [0], [0], [1], [0, 0, 1, 1], [], []>, transpose_lhs_hint = false} : vector<10000x128xf32>, vector<128x128xf32>, vector<10000x128xf32> -> vector<10000x128xf32>
    %add3A_35 = arith.addf %add3A_26, %dot_general3A_34 : vector<10000x128xf32>
    %max3A_36 = arith.constant 0.000000e+00 : f32
    %max3A_37 = vector.broadcast %max3A_36 : f32 to vector<10000x128xf32>
    %max3A_38 = arith.maximumf %add3A_35, %max3A_37 : vector<10000x128xf32>
    %swap3A = arith.constant 0 : index
    %swap3A_39 = arith.constant 0 : index
    %swap3A_40 = vector.load %arg7[%swap3A, %swap3A_39] : memref<10000x128xf32, #tpu.memory_space<vmem>>, vector<10000x128xf32>
    tpu.vector_store %arg7[%swap3A, %swap3A_39], %max3A_38 {strides = array<i32>} : memref<10000x128xf32, #tpu.memory_space<vmem>>, vector<10000x128xf32>,
    return
  }
  func.func @transform_0(%arg0: i32) -> (i32, i32, i32) {
    %c0_i32 = arith.constant 0 : i32
    %c0_i32_0 = arith.constant 0 : i32
    %c0_i32_1 = arith.constant 0 : i32
    %c0_i32_2 = arith.constant 0 : i32
    return %c0_i32, %c0_i32_0, %c0_i32_1 : i32, i32, i32
  }
  func.func @transform_1(%arg0: i32) -> (i32, i32) {
    %c0_i32 = arith.constant 0 : i32
    %c0_i32_0 = arith.constant 0 : i32
    %c0_i32_1 = arith.constant 0 : i32
    return %c0_i32, %c0_i32_0 : i32, i32
  }
  func.func @transform_2(%arg0: i32) -> (i32, i32) {
    %c0_i32 = arith.constant 0 : i32
    %c0_i32_0 = arith.constant 0 : i32
    %c0_i32_1 = arith.constant 0 : i32
    return %c0_i32, %c0_i32_0 : i32, i32
  }
  func.func @transform_3(%arg0: i32) -> (i32, i32) {
    %c0_i32 = arith.constant 0 : i32
    %c0_i32_0 = arith.constant 0 : i32
    %c0_i32_1 = arith.constant 0 : i32
    return %c0_i32, %c0_i32_0 : i32, i32
  }
  func.func @transform_4(%arg0: i32) -> (i32, i32) {
    %c0_i32 = arith.constant 0 : i32
    %c0_i32_0 = arith.constant 0 : i32
    %c0_i32_1 = arith.constant 0 : i32
    return %c0_i32, %c0_i32_0 : i32, i32
  }
  func.func @transform_5(%arg0: i32) -> (i32, i32) {
    %c0_i32 = arith.constant 0 : i32
    %c0_i32_0 = arith.constant 0 : i32
    %c0_i32_1 = arith.constant 0 : i32
    return %c0_i32, %c0_i32_0 : i32, i32
  }
  func.func @transform_6(%arg0: i32) -> (i32, i32) {
    %c0_i32 = arith.constant 0 : i32
    %c0_i32_0 = arith.constant 0 : i32
    %c0_i32_1 = arith.constant 0 : i32
    return %c0_i32, %c0_i32_0 : i32, i32
  }
}

module attributes {stable_mosaic.version = 14 : i64} {
  func.func @_tc2_body(%arg0: i32, %arg1: memref<2x10240x128xf32, #tpu.memory_space<vmem>>, %arg2: memref<2x10240xf32, #tpu.memory_space<vmem>>, %arg3: memref<10000x128xf32, #tpu.memory_space<vmem>>, %arg4: memref<128x128xf32, #tpu.memory_space<vmem>>, %arg5: memref<1x128xf32, #tpu.memory_space<vmem>>, %arg6: memref<128x128xf32, #tpu.memory_space<vmem>>, %arg7: memref<128x128xf32, #tpu.memory_space<vmem>>, %arg8: memref<1x128xf32, #tpu.memory_space<vmem>>, %arg9: memref<10000x128xf32, #tpu.memory_space<vmem>>) attributes {dimension_semantics = [#tpu.dimension_semantics<arbitrary>], iteration_bounds = array<i64: 1>, scalar_prefetch = 0 : i64, scratch_operands = 0 : i64, tpu.core_type = #tpu.core_type<tc>, window_params = [{pipeline_mode = #tpu.pipeline_mode<synchronous>, transform_indices = @transform_0, window_bounds = array<i64: 2, 10240, 128>}, {pipeline_mode = #tpu.pipeline_mode<synchronous>, transform_indices = @transform_1, window_bounds = array<i64: 2, 10240>}, {pipeline_mode = #tpu.pipeline_mode<synchronous>, transform_indices = @transform_2, window_bounds = array<i64: 10000, 128>}, {pipeline_mode = #tpu.pipeline_mode<synchronous>, transform_indices = @transform_3, window_bounds = array<i64: 128, 128>}, {pipeline_mode = #tpu.pipeline_mode<synchronous>, transform_indices = @transform_4, window_bounds = array<i64: 1, 128>}, {pipeline_mode = #tpu.pipeline_mode<synchronous>, transform_indices = @transform_5, window_bounds = array<i64: 128, 128>}, {pipeline_mode = #tpu.pipeline_mode<synchronous>, transform_indices = @transform_6, window_bounds = array<i64: 128, 128>}, {pipeline_mode = #tpu.pipeline_mode<synchronous>, transform_indices = @transform_7, window_bounds = array<i64: 1, 128>}, {pipeline_mode = #tpu.pipeline_mode<synchronous>, transform_indices = @transform_8, window_bounds = array<i64: 10000, 128>}]} {
    %get3A = arith.constant 0 : index
    %get3A_0 = arith.constant 0 : index
    %get3A_1 = vector.load %arg2[%get3A, %get3A_0] : memref<2x10240xf32, #tpu.memory_space<vmem>>, vector<2x10240xf32>
    %reduce_sum3A = arith.constant dense<0.000000e+00> : vector<10240xf32>
    %reduce_sum3A_2 = vector.multi_reduction <add>, %get3A_1, %reduce_sum3A [0] : vector<2x10240xf32> to vector<10240xf32>
    %slice3A = vector.extract_strided_slice %reduce_sum3A_2 {offsets = [0], sizes = [10000], strides = [1]} : vector<10240xf32> to vector<10000xf32>
    %max3A = arith.constant 1.000000e+00 : f32
    %max3A_3 = vector.broadcast %max3A : f32 to vector<10000xf32>
    %max3A_4 = arith.maximumf %slice3A, %max3A_3 : vector<10000xf32>
    %div3A = arith.constant 1.000000e+00 : f32
    %div3A_5 = vector.broadcast %div3A : f32 to vector<10000xf32>
    %div3A_6 = arith.divf %div3A_5, %max3A_4 : vector<10000xf32>
    %get3A_7 = arith.constant 0 : index
    %get3A_8 = arith.constant 0 : index
    %get3A_9 = arith.constant 0 : index
    %get3A_10 = vector.load %arg1[%get3A_7, %get3A_8, %get3A_9] : memref<2x10240x128xf32, #tpu.memory_space<vmem>>, vector<1x10000x128xf32>
    %get3A_11 = vector.shape_cast %get3A_10 : vector<1x10000x128xf32> to vector<10000x128xf32>
    %get3A_12 = arith.constant 1 : index
    %get3A_13 = arith.constant 0 : index
    %get3A_14 = arith.constant 0 : index
    %get3A_15 = vector.load %arg1[%get3A_12, %get3A_13, %get3A_14] : memref<2x10240x128xf32, #tpu.memory_space<vmem>>, vector<1x10000x128xf32>
    %get3A_16 = vector.shape_cast %get3A_15 : vector<1x10000x128xf32> to vector<10000x128xf32>
    %add3A = arith.addf %get3A_11, %get3A_16 : vector<10000x128xf32>
    %broadcast_in_dim3A = vector.shape_cast %div3A_6 : vector<10000xf32> to vector<10000x1xf32>
    %mul3A = vector.broadcast %broadcast_in_dim3A : vector<10000x1xf32> to vector<10000x128xf32>
    %mul3A_17 = arith.mulf %add3A, %mul3A : vector<10000x128xf32>
    %get3A_18 = arith.constant 0 : index
    %get3A_19 = arith.constant 0 : index
    %get3A_20 = vector.load %arg4[%get3A_18, %get3A_19] : memref<128x128xf32, #tpu.memory_space<vmem>>, vector<128x128xf32>
    %dot_general3A = arith.constant dense<0.000000e+00> : vector<10000x128xf32>
    %dot_general3A_21 = tpu.matmul %mul3A_17, %get3A_20, %dot_general3A {dimension_numbers = #tpu.dot_dimension_numbers<[1], [0], [0], [1], [0, 0, 1, 1], [], []>, transpose_lhs_hint = false} : vector<10000x128xf32>, vector<128x128xf32>, vector<10000x128xf32> -> vector<10000x128xf32>
    %get3A_22 = arith.constant 0 : index
    %get3A_23 = arith.constant 0 : index
    %get3A_24 = vector.load %arg5[%get3A_22, %get3A_23] : memref<1x128xf32, #tpu.memory_space<vmem>>, vector<1x128xf32>
    %add3A_25 = vector.broadcast %get3A_24 : vector<1x128xf32> to vector<10000x128xf32>
    %add3A_26 = arith.addf %dot_general3A_21, %add3A_25 : vector<10000x128xf32>
    %get3A_27 = arith.constant 0 : index
    %get3A_28 = arith.constant 0 : index
    %get3A_29 = vector.load %arg3[%get3A_27, %get3A_28] : memref<10000x128xf32, #tpu.memory_space<vmem>>, vector<10000x128xf32>
    %get3A_30 = arith.constant 0 : index
    %get3A_31 = arith.constant 0 : index
    %get3A_32 = vector.load %arg6[%get3A_30, %get3A_31] : memref<128x128xf32, #tpu.memory_space<vmem>>, vector<128x128xf32>
    %dot_general3A_33 = arith.constant dense<0.000000e+00> : vector<10000x128xf32>
    %dot_general3A_34 = tpu.matmul %get3A_29, %get3A_32, %dot_general3A_33 {dimension_numbers = #tpu.dot_dimension_numbers<[1], [0], [0], [1], [0, 0, 1, 1], [], []>, transpose_lhs_hint = false} : vector<10000x128xf32>, vector<128x128xf32>, vector<10000x128xf32> -> vector<10000x128xf32>
    %add3A_35 = arith.addf %add3A_26, %dot_general3A_34 : vector<10000x128xf32>
    %max3A_36 = arith.constant 0.000000e+00 : f32
    %max3A_37 = vector.broadcast %max3A_36 : f32 to vector<10000x128xf32>
    %max3A_38 = arith.maximumf %add3A_35, %max3A_37 : vector<10000x128xf32>
    %get3A_39 = arith.constant 0 : index
    %get3A_40 = arith.constant 0 : index
    %get3A_41 = vector.load %arg7[%get3A_39, %get3A_40] : memref<128x128xf32, #tpu.memory_space<vmem>>, vector<128x128xf32>
    %dot_general3A_42 = arith.constant dense<0.000000e+00> : vector<10000x128xf32>
    %dot_general3A_43 = tpu.matmul %max3A_38, %get3A_41, %dot_general3A_42 {dimension_numbers = #tpu.dot_dimension_numbers<[1], [0], [0], [1], [0, 0, 1, 1], [], []>, transpose_lhs_hint = false} : vector<10000x128xf32>, vector<128x128xf32>, vector<10000x128xf32> -> vector<10000x128xf32>
    %get3A_44 = arith.constant 0 : index
    %get3A_45 = arith.constant 0 : index
    %get3A_46 = vector.load %arg8[%get3A_44, %get3A_45] : memref<1x128xf32, #tpu.memory_space<vmem>>, vector<1x128xf32>
    %add3A_47 = vector.broadcast %get3A_46 : vector<1x128xf32> to vector<10000x128xf32>
    %add3A_48 = arith.addf %dot_general3A_43, %add3A_47 : vector<10000x128xf32>
    %reduce_max3A = arith.constant dense<0xFF800000> : vector<10000xf32>
    %reduce_max3A_49 = vector.multi_reduction <maximumf>, %add3A_48, %reduce_max3A [1] : vector<10000x128xf32> to vector<10000xf32>
    %broadcast_in_dim3A_50 = vector.shape_cast %reduce_max3A_49 : vector<10000xf32> to vector<10000x1xf32>
    %sub3A = vector.broadcast %broadcast_in_dim3A_50 : vector<10000x1xf32> to vector<10000x128xf32>
    %sub3A_51 = arith.subf %add3A_48, %sub3A : vector<10000x128xf32>
    %exp3A = math.exp %sub3A_51 : vector<10000x128xf32>
    %sub3A_52 = vector.broadcast %broadcast_in_dim3A_50 : vector<10000x1xf32> to vector<10000x128xf32>
    %sub3A_53 = arith.subf %add3A_48, %sub3A_52 : vector<10000x128xf32>
    %reduce_sum3A_54 = arith.constant dense<0.000000e+00> : vector<10000xf32>
    %reduce_sum3A_55 = vector.multi_reduction <add>, %exp3A, %reduce_sum3A_54 [1] : vector<10000x128xf32> to vector<10000xf32>
    %broadcast_in_dim3A_56 = vector.shape_cast %reduce_sum3A_55 : vector<10000xf32> to vector<10000x1xf32>
    %log3A = math.log %broadcast_in_dim3A_56 : vector<10000x1xf32>
    %sub3A_57 = vector.broadcast %log3A : vector<10000x1xf32> to vector<10000x128xf32>
    %sub3A_58 = arith.subf %sub3A_53, %sub3A_57 : vector<10000x128xf32>
    %swap3A = arith.constant 0 : index
    %swap3A_59 = arith.constant 0 : index
    %swap3A_60 = vector.load %arg9[%swap3A, %swap3A_59] : memref<10000x128xf32, #tpu.memory_space<vmem>>, vector<10000x128xf32>
    tpu.vector_store %arg9[%swap3A, %swap3A_59], %sub3A_58 {strides = array<i32>} : memref<10000x128xf32, #tpu.memory_space<vmem>>, vector<10000x128xf32>,
    return
  }
  func.func @transform_0(%arg0: i32) -> (i32, i32, i32) {
    %c0_i32 = arith.constant 0 : i32
    %c0_i32_0 = arith.constant 0 : i32
    %c0_i32_1 = arith.constant 0 : i32
    %c0_i32_2 = arith.constant 0 : i32
    return %c0_i32, %c0_i32_0, %c0_i32_1 : i32, i32, i32
  }
  func.func @transform_1(%arg0: i32) -> (i32, i32) {
    %c0_i32 = arith.constant 0 : i32
    %c0_i32_0 = arith.constant 0 : i32
    %c0_i32_1 = arith.constant 0 : i32
    return %c0_i32, %c0_i32_0 : i32, i32
  }
  func.func @transform_2(%arg0: i32) -> (i32, i32) {
    %c0_i32 = arith.constant 0 : i32
    %c0_i32_0 = arith.constant 0 : i32
    %c0_i32_1 = arith.constant 0 : i32
    return %c0_i32, %c0_i32_0 : i32, i32
  }
  func.func @transform_3(%arg0: i32) -> (i32, i32) {
    %c0_i32 = arith.constant 0 : i32
    %c0_i32_0 = arith.constant 0 : i32
    %c0_i32_1 = arith.constant 0 : i32
    return %c0_i32, %c0_i32_0 : i32, i32
  }
  func.func @transform_4(%arg0: i32) -> (i32, i32) {
    %c0_i32 = arith.constant 0 : i32
    %c0_i32_0 = arith.constant 0 : i32
    %c0_i32_1 = arith.constant 0 : i32
    return %c0_i32, %c0_i32_0 : i32, i32
  }
  func.func @transform_5(%arg0: i32) -> (i32, i32) {
    %c0_i32 = arith.constant 0 : i32
    %c0_i32_0 = arith.constant 0 : i32
    %c0_i32_1 = arith.constant 0 : i32
    return %c0_i32, %c0_i32_0 : i32, i32
  }
  func.func @transform_6(%arg0: i32) -> (i32, i32) {
    %c0_i32 = arith.constant 0 : i32
    %c0_i32_0 = arith.constant 0 : i32
    %c0_i32_1 = arith.constant 0 : i32
    return %c0_i32, %c0_i32_0 : i32, i32
  }
  func.func @transform_7(%arg0: i32) -> (i32, i32) {
    %c0_i32 = arith.constant 0 : i32
    %c0_i32_0 = arith.constant 0 : i32
    %c0_i32_1 = arith.constant 0 : i32
    return %c0_i32, %c0_i32_0 : i32, i32
  }
  func.func @transform_8(%arg0: i32) -> (i32, i32) {
    %c0_i32 = arith.constant 0 : i32
    %c0_i32_0 = arith.constant 0 : i32
    %c0_i32_1 = arith.constant 0 : i32
    return %c0_i32, %c0_i32_0 : i32, i32
  }
}

</mosaic_0001>

<sc_bundles>
// kernel: kernel.6.cloned.1.call-start
scs
__scs_entry_jumppad:
0x0: {  	(pc) =	sbr.rel $0x88, $3  }
0x1: {  	(tag) =	ssettag $0x0;
	lr =	simm.s32 $0x1  }
0x2: {  	[smem:$0x3F97] =	sst lr;
	_ =	strace $0xD0000000  }
0x3: {  	_ = 	snop  }
0x4: {  	_ = 	snop  }
0x5: {  	_ = 	snop  }
0x6: {  	_ = 	snop  }
0x7: {  	_ = 	snop  }
__scs_overlays_trampoline_lowered:
0x8: {  	[smem:$0x3FA6] =	sst s0  }
0x9: {  	[smem:$0x3FA7] =	sst s1  }
0xa: {  	[smem:$0x3FA8] =	sst s2  }
0xb: {  	[smem:$0x3FA9] =	sst s3  }
0xc: {  	[smem:$0x3FAA] =	sst s4  }
0xd: {  	[smem:$0x3FAB] =	sst s5  }
0xe: {  	[smem:$0x3FAC] =	sst s6  }
0xf: {  	[smem:$0x3FAD] =	sst s7  }
0x10: {  	[smem:$0x3FAE] =	sst s8  }
0x11: {  	[smem:$0x3FAF] =	sst s9;
	s0 =	simm.s32 @!p0 $0x0  }
0x12: {  	s1 =	sld [smem:$0x3F95];
	s0 =	simm.s32 @p0 $0x1  }
0x13: {  	[smem:$0x3FB0] =	sst s0;
	s0 =	simm.s32 @!p1 $0x0  }
0x14: {  	s2 =	sld [smem:$0x3F94];
	s0 =	simm.s32 @p1 $0x1  }
0x15: {  	[smem:$0x3FB1] =	sst s0;
	s0 =	simm.s32 @!p2 $0x0  }
0x16: {  	s3 =	sld [smem:$0x3FDB];
	s0 =	simm.s32 @p2 $0x1  }
0x17: {  	s4 =	simm.s32 $0x1BF5;
	[smem:$0x3FB3] =	sst s0  }
0x18: {  	s0 =	sld [smem:$0x3F96];
	_ =	swait.ge [sflag:s4], $0x0  }
0x19: {  	s7 =	sld [smem:$0x3F97]  }
0x1a: {  	s8 =	sadd.s32 $0xFFFFE003, lr  }
0x1b: {  	s9 =	sadd.s32 $0xFFFFFEF7, lr;
	s5 =	simm.s32 $0xFFFFFFFF;
	p2 =	slt.u32 s8, $0xFFFFF086  }
0x1c: {  	p1 =	slt.u32 s9, $0xF7A;
	s5 =	simm.s32 @!p2 $0x0  }
0x1d: {  	s5 =	simm.s32 @p1 $0x1;
	p0 =	seq.s32 s7, s2  }
0x1e: {  	s7 =	smul.u32 @!p0 $0xF7A, s2;
	p2 =	seq.s32 @!p0 s5, $0x0  }
0x1f: {  	s9 =	smul.u32 $0xF7A, s1;
	s8 =	simm.s32 @!p0 $0x1BF5;
	p2 =	por !p2, p0  }
0x20: {  	[sflag:s8] =	ssyncset.s32 @!p0 $0xFFFFF086;
	s6 =	sadd.s32 @!p0 s3, s7;
	s7 =	simm.s32 @!p0 $0x108  }
0x21: {  	s3 =	sadd.s32 s3, s9;
	s6 =	sadd.s32 @!p0 $0x88, s6;
	s7 =	simm.s32 @p2 $0x1082  }
0x22: {  	[simem:s7], [sflag:s8] =	dma.local @!p0 [hbm:s6], $0xF7A  }
0x23: {  	s9 =	sor.u32 $0xD0000000, s2;
	s6 =	simm.s32 $0x108;
	_ =	swait.ge @!p0 [sflag:s8], $0x0  }
0x24: {  	s3 =	sadd.s32 $0x88, s3;
	s6 =	simm.s32 @!p1 $0x1082;
	[sflag:s4] =	ssyncset.s32 $0xFFFFF086  }
0x25: {  	[simem:s6], [sflag:s4] =	dma.local [hbm:s3], $0xF7A  }
0x26: {  	[smem:$0x3F97] =	sst s1;
	(tag) =	ssettag s2;
	_ =	strace s9  }
0x27: {  	s1 =	sld [smem:$0x3FA7]  }
0x28: {  	s2 =	sld [smem:$0x3FA8]  }
0x29: {  	s4 =	sld [smem:$0x3FAA]  }
0x2a: {  	p0 =	seq.s32 s5, $0x0;
	s5 =	sld [smem:$0x3FAB]  }
0x2b: {  	s6 =	sld [smem:$0x3FAC]  }
0x2c: {  	s7 =	sld [smem:$0x3FAD]  }
0x2d: {  	s3 =	simm.s32 $0x108;
	s8 =	sld [smem:$0x3FAE]  }
0x2e: {  	s3 =	simm.s32 @!p0 $0x1082;
	s9 =	sld [smem:$0x3FAF]  }
0x2f: {  	lr =	sadd.s32 s0, s3;
	s0 =	sld [smem:$0x3FA6]  }
0x30: {  	s3 =	sld [smem:$0x3FA9]  }
0x31: {  	[smem:$0x3FB2] =	sst s10  }
0x32: {  	s10 =	sld [smem:$0x3FB0];
	_ =	sdelay $0x3  }
0x33: {  	p0 =	seq.s32 s10, $0x1;
	s10 =	sld [smem:$0x3FB2];
	_ =	sdelay $0x3  }
0x34: {  	[smem:$0x3FB2] =	sst s10  }
0x35: {  	s10 =	sld [smem:$0x3FB1];
	_ =	sdelay $0x3  }
0x36: {  	p1 =	seq.s32 s10, $0x1;
	s10 =	sld [smem:$0x3FB2];
	_ =	sdelay $0x3  }
0x37: {  	[smem:$0x3FB2] =	sst s10  }
0x38: {  	s10 =	sld [smem:$0x3FB3]  }
0x39: {  	_ = 	snop;
	(pc) =	sbr.ind lr, $3  }
0x3a: {  	_ = 	snop  }
0x3b: {  	_ = 	snop  }
0x3c: {  	p2 =	seq.s32 s10, $0x1;
	s10 =	sld [smem:$0x3FB2]  }
0x3d: {  	_ =	shalt  }
0x3e: {  	_ =	shalt  }
0x3f: {  	_ =	shalt  }
0x40: {  	_ =	shalt  }
0x41: {  	_ =	shalt  }
0x42: {  	_ =	shalt  }
0x43: {  	_ =	shalt  }
0x44: {  	_ =	shalt  }
0x45: {  	_ =	shalt  }
0x46: {  	_ =	shalt  }
0x47: {  	_ =	shalt  }
0x48: {  	_ =	shalt  }
0x49: {  	_ =	shalt  }
0x4a: {  	_ =	shalt  }
0x4b: {  	_ =	shalt  }
0x4c: {  	_ =	shalt  }
0x4d: {  	_ =	shalt  }
0x4e: {  	_ =	shalt  }
0x4f: {  	_ =	shalt  }
0x50: {  	_ =	shalt  }
0x51: {  	_ =	shalt  }
0x52: {  	_ =	shalt  }
0x53: {  	_ =	shalt  }
0x54: {  	_ =	shalt  }
0x55: {  	_ =	shalt  }
0x56: {  	_ =	shalt  }
0x57: {  	_ =	shalt  }
0x58: {  	_ =	shalt  }
0x59: {  	_ =	shalt  }
0x5a: {  	_ =	shalt  }
0x5b: {  	_ =	shalt  }
0x5c: {  	_ =	shalt  }
0x5d: {  	_ =	shalt  }
0x5e: {  	_ =	shalt  }
0x5f: {  	_ =	shalt  }
0x60: {  	_ =	shalt  }
0x61: {  	_ =	shalt  }
0x62: {  	_ =	shalt  }
0x63: {  	_ =	shalt  }
0x64: {  	_ =	shalt  }
0x65: {  	_ =	shalt  }
0x66: {  	_ =	shalt  }
0x67: {  	_ =	shalt  }
0x68: {  	_ =	shalt  }
0x69: {  	_ =	shalt  }
0x6a: {  	_ =	shalt  }
0x6b: {  	_ =	shalt  }
0x6c: {  	_ =	shalt  }
0x6d: {  	_ =	shalt  }
0x6e: {  	_ =	shalt  }
0x6f: {  	_ =	shalt  }
0x70: {  	_ =	shalt  }
0x71: {  	_ =	shalt  }
0x72: {  	_ =	shalt  }
0x73: {  	_ =	shalt  }
0x74: {  	_ =	shalt  }
0x75: {  	_ =	shalt  }
0x76: {  	_ =	shalt  }
0x77: {  	_ =	shalt  }
0x78: {  	_ =	shalt  }
0x79: {  	_ =	shalt  }
0x7a: {  	_ =	shalt  }
0x7b: {  	_ =	shalt  }
0x7c: {  	_ =	shalt  }
0x7d: {  	_ =	shalt  }
0x7e: {  	_ =	shalt  }
0x7f: {  	_ =	shalt  }
0x80: {  	_ =	shalt  }
0x81: {  	_ =	shalt  }
0x82: {  	_ =	shalt  }
0x83: {  	_ =	shalt  }
0x84: {  	_ =	shalt  }
0x85: {  	_ =	shalt  }
0x86: {  	_ =	shalt  }
0x87: {  	_ =	shalt  }
.Lfunc_end0:
.L_simem_size_0:
called_computation_lowered:
.L_overlay_start_0:
0x88: {  	s2 =	sld [smem:$0x3FD9]  }
0x89: {  	s3 =	sld [smem:$0x3FFE];
	_ =	sdelay $0x1  }
0x8a: {  	s1 =	srdreg.scid  }
0x8b: {  	s0 =	sand.u32 $0x1, s1  }
0x8c: {  	s17 =	sshll.u32 s0, $0xA;
	s2 =	sadd.s32 s3, s2  }
0x8d: {  	s2 =	sadd.s32 s2, s17  }
0x8e: {  	[smem:$0x3FBE] =	sst s2  }
0x8f: {  	_ = 	snop  }
0x90: {  	s2 =	sld [smem:$0x3FC9];
	(tm) =	ssettm $0x1  }
0x91: {  	s18 =	sld [smem:$0x3FFB];
	_ =	sdelay $0x3  }
0x92: {  	_ =	strace s18  }
0x93: {  	s3 =	sld [smem:$0x3FFC];
	_ =	sdelay $0x3  }
0x94: {  	_ =	strace s3  }
0x95: {  	s3 =	sld [smem:$0x3FFD];
	_ =	sdelay $0x3  }
0x96: {  	_ =	strace s3  }
0x97: {  	_ =	strace $0x8FFFFFFF  }
0x98: {  	s19 =	sld [smem:$0x3FDB];
	_ =	sdelay $0x1  }
0x99: {  	s4 =	simm.s32 $_scs_section_size  }
0x9a: {  	s5 =	simm.s32 $_size__tile_overlayer_lowered;
	s6 =	simm.s32 $_tile_overlayer_lowered  }
0x9b: {  	s22 =	simm.s32 $0x1BFF;
	s21 =	sshll.u32 s6, $0x1;
	s3 =	sadd.s32 s4, s19  }
0x9c: {  	s7 =	simm.s32 $0x0;
	s20 =	sshll.u32 s5, $0x1;
	s5 =	sadd.s32 s21, s3  }
0x9d: {  	[timem:s7], [sflag:s22] =	dma.local [hbm:s5], s20  }
0x9e: {  	_ =	swait.ge [sflag:s22], s20  }
0x9f: {  	s4 =	ssub.s32 $0x0, s20;
	[sflag:s22] =	ssyncset.done $0x0  }
0xa0: {  	[sflag:s22] =	ssyncadd.s32 s4;
	_ =	sdelay $0x1  }
0xa1: {  	s23 =	simm.s32 $0x1B8B  }
0xa2: {  	_ =	swait.ge [sflag:s23], $0x1  }
0xa3: {  	[sflag:s23] =	ssyncset.done $0x0  }
0xa4: {  	s25 =	simm.s32 $0x1B8E;
	s24 =	sld [smem:$0x3FFE];
	[sflag:s23] =	ssyncadd.s32 $0xFFFFFFFF  }
0xa5: {  	s26 =	simm.s32 $execute0_lowered;
	[smem:$0x3FD2] =	sst s25  }
0xa6: {  	s5 =	sshll.u32 s26, $0x1;
	_ =	strace $0x80000046;
	[dreg:$0x1] =	wrdreg $0xFFFFFFFF  }
0xa7: {  	s28 =	simm.s32 $_size_execute0_lowered;
	s3 =	sadd.s32 s3, s5;
	[dreg:$0x0] =	wrdreg $0x0  }
0xa8: {  	s5 =	sshll.u32 s28, $0x1;
	[dreg:$0x2] =	wrdreg s3  }
0xa9: {  	[dreg:$0x3] =	wrdreg s5  }
0xaa: {  	[dreg:$0x4] =	wrdreg $0xC0  }
0xab: {  	_ =	task [dreg:s7], $0x5FFFF  }
0xac: {  	[dreg:$0x1] =	wrdreg $0xFFFFFFFF  }
0xad: {  	[dreg:$0x0] =	wrdreg $0x60  }
0xae: {  	[dreg:$0x2] =	wrdreg s2  }
0xaf: {  	[dreg:$0x3] =	wrdreg s24  }
0xb0: {  	[dreg:$0x4] =	wrdreg $0x0  }
0xb1: {  	[dreg:$0x5] =	wrdreg $0x9  }
0xb2: {  	_ =	task.clear_ibuf [dreg:s7], $0x6FFFF;
	_ =	strace $0x90000046  }
0xb3: {  	s29 =	simm.s32 $0x9;
	_ =	strace $0x80000048  }
0xb4: {  	_ =	swait.ge [sflag:s29], $0x1  }
0xb5: {  	[sflag:s29] =	ssyncadd.s32 $0xFFFFFFFF  }
0xb6: {  	_ =	strace $0x90000048  }
0xb7: {  	_ =	sfence  }
0xb8: {  	s30 =	sld [smem:$0x0];
	_ =	sdelay $0x2  }
0xb9: {  	s31 =	sshll.u32 s1, $0xD;
	s1 =	sshrl.u32 s1, $0x2  }
0xba: {  	s3 =	sand.u32 $0x4000, s31;
	s1 =	sadd.s32 s1, s30  }
0xbb: {  	s0 =	sor.u32 s3, s0;
	s1 =	sshll.u32 s1, $0x11  }
0xbc: {  	s0 =	sor.u32 s1, s0  }
0xbd: {  	s0 =	sadd.s32 $0x8F2B, s0  }
0xbe: {  	[sflag:s0] =	ssyncadd.remote.s32 $0x1  }
0xbf: {  	_ =	sfence.sel $0xFFFF  }
0xc0: {  	[dreg:$0x0] =	wrdreg $0xFFFFFFFF;
	(pc) =	sbr.abs _section_cstart, $3  }
0xc1: {  	[dreg:$0x1] =	wrdreg $0xFFFFFFFF  }
0xc2: {  	_ =	task.clear_ibuf [dreg:s7], $0x2FFFF;
	_ =	strace $0x9FFFFFFF  }
0xc3: {  	(tm) =	ssettm $0x7FFFFFFF  }
tec
execute0_lowered:
.L_overlay_start_1:
0x0: {  	(tag) =	ssettag $0x1  }
0x1: {  	s1 =	rddreg [dreg:$0x0]  }
0x2: {  	s0 =	srdreg.scid;
	s6 =	rddreg [dreg:$0x1]  }
0x3: {  	s11 =	stileid.u32;
	s3 =	rddreg [dreg:$0x2];
	s4 =	simm.s32 $0x0  }
0x4: {  	s0 =	sand.u32 $0x1, s0;
	s2 =	sshll.u32 s11, $0x1;
	s5 =	smul.u32 $0x280, s11  }
0x5: {  	s2 =	sor.u32 s0, s2;
	s7 =	smul.u32 $0x2800, s0;
	s20 =	ssub.s32 $0x2, s0  }
0x6: {  	[smem:$0x7FF] =	sst s4;
	s2 =	smul.u32 $0x2710, s2;
	s10 =	sshrl.u32 s20, $0x1  }
0x7: {  	_ =	strace $0x80000047;
	s5 =	sadd.s32 s5, s7;
	s7 =	ssub.s32 s20, s10  }
0x8: {  	s2 =	sshrl.u32 s2, $0x3;
	s9 =	sshll.u32 s5, $0x4;
	s5 =	sadd.s32 $0x2000, s6  }
0x9: {  	s31 =	smax.u32 s7, $0x1;
	s8 =	sadd.s32 s2, s6;
	s9 =	sadd.s32 s9, s6  }
0xa: {  	s6 =	sadd.s32 s5, s2;
	[dreg:$0xa] =	wrdreg s31;
	s21 =	sadd.s32 $0xBE00, s8  }
0xb: {  	s23 =	sadd.s32 $0xA, s6;
	[dreg:$0x4] =	wrdreg s21  }
0xc: {  	s22 =	smul.u32 $0x50000, s11;
	s24 =	sadd.s32 $0x14, s6;
	[dreg:$0x5] =	wrdreg s23  }
0xd: {  	s25 =	sadd.s32 $0x4CE, s6;
	[dreg:$0x6] =	wrdreg s24  }
0xe: {  	s2 =	sshrl.u32 s22, $0x2;
	s26 =	sadd.s32 $0x4D8, s6;
	[dreg:$0x7] =	wrdreg s25  }
0xf: {  	s12 =	sadd.s32 s2, s3;
	s30 =	sadd.s32 $0x15C00, s9;
	[dreg:$0x8] =	wrdreg s26  }
0x10: {  	[dreg:$0x9] =	wrdreg s30;
	s7 =	sadd.s32 $0x1400, s12  }
0x11: {  	s9 =	sadd.s32 $0x2800, s12;
	[dreg:$0xb] =	wrdreg s7  }
0x12: {  	s29 =	smul.u32 $0x4E20, s11;
	s10 =	sadd.s32 $0x3C00, s12;
	[dreg:$0xc] =	wrdreg s9  }
0x13: {  	s0 =	smul.u32 $0x2710, s0;
	s11 =	sadd.s32 $0x5000, s12;
	[dreg:$0xd] =	wrdreg s10  }
0x14: {  	s28 =	simm.s32 $0x0;
	s13 =	sadd.s32 $0x6400, s12;
	[dreg:$0xe] =	wrdreg s11  }
0x15: {  	s0 =	sadd.s32 s0, s29;
	s14 =	sadd.s32 $0x7800, s12;
	[dreg:$0xf] =	wrdreg s13  }
0x16: {  	s15 =	sadd.s32 $0x190, s0;
	s16 =	sadd.s32 $0x8C00, s12;
	[dreg:$0x10] =	wrdreg s14  }
0x17: {  	s17 =	sadd.s32 $0x140, s0;
	s18 =	sadd.s32 $0xA000, s12;
	[dreg:$0x11] =	wrdreg s16  }
0x18: {  	s19 =	sshrl.u32 s17, $0x3;
	s20 =	sadd.s32 $0xB400, s12;
	[dreg:$0x12] =	wrdreg s18  }
0x19: {  	s17 =	simm.s32 $0x19000;
	s21 =	sadd.s32 $0xC800, s12;
	[dreg:$0x13] =	wrdreg s20  }
0x1a: {  	s2 =	sshrl.u32 s15, $0x3;
	s22 =	sadd.s32 $0xDC00, s12;
	[dreg:$0x14] =	wrdreg s21  }
0x1b: {  	s8 =	simm.s32 $0x7;
	s26 =	sadd.s32 $0xF000, s12;
	[dreg:$0x15] =	wrdreg s22  }
0x1c: {  	s15 =	simm.s32 $0x16800;
	s29 =	sadd.s32 $0x10400, s12;
	[dreg:$0x16] =	wrdreg s26  }
0x1d: {  	s23 =	sadd.s32 s2, s5;
	s30 =	sadd.s32 $0x11800, s12;
	[dreg:$0x17] =	wrdreg s29  }
0x1e: {  	s24 =	sadd.s32 s19, s5;
	s31 =	sadd.s32 $0x12C00, s12;
	[dreg:$0x18] =	wrdreg s30  }
0x1f: {  	s25 =	sadd.s32 $0xF0, s0;
	s19 =	simm.s32 $0x1;
	[dreg:$0x19] =	wrdreg s31  }
0x20: {  	s7 =	simm.s32 $0x1B800;
	s9 =	simm.s32 $0x14000;
	s10 =	simm.s32 $0x1E100  }
0x21: {  	v0 =	vimm.f32 $0.0e+00;
	v6 =	vlaneseq.u32;
	s11 =	simm.s32 $0x50;
	s13 =	simm.s32 $0x1DF80;
	s14 =	simm.s32 $0x1E000  }
0x22: {  	v1 =	vimm.f32 $1.000000000e+00;
	v2 =	vor.u32 $0x2710, v6;
	v3 =	vor.u32 $0x2720, v6;
	s16 =	simm.s32 $0x1E080;
	s18 =	simm.s32 $0x4;
	s20 =	simm.s32 $0x5  }
0x23: {  	v4 =	vor.u32 $0x2730, v6;
	v5 =	vor.u32 $0x2740, v6;
	v6 =	vor.u32 $0x2750, v6;
	s21 =	simm.s32 $0x2;
	s22 =	simm.s32 $0x6;
	s26 =	simm.s32 $0x3  }
.LBB2_1:
0x24: {  	s2 =	simm.s32 $0x0;
	s29 =	simm.s32 $0x200  }
.LBB2_2:
0x25: {  	p0 =	sne.s32 s29, $0x9E00;
	[tilespmem:s2+$0x14070] =	vst v0  }
0x26: {  	[tilespmem:s2+$0x14000] =	vst v0  }
0x27: {  	[tilespmem:s2+$0x14010] =	vst v0  }
.Ltmp0:
0x28: {  	[tilespmem:s2+$0x14020] =	vst v0;
	(pc) =	sbr.rel @p0 .LBB2_2-.Ltmp0, $4  }
0x29: {  	[tilespmem:s2+$0x14030] =	vst v0  }
0x2a: {  	[tilespmem:s2+$0x14040] =	vst v0  }
0x2b: {  	[tilespmem:s2+$0x14050] =	vst v0  }
0x2c: {  	[tilespmem:s2+$0x14060] =	vst v0;
	s2 =	sshra.s32 s29, $0x2;
	s29 =	sadd.s32 $0x200, s29  }
0x2d: {  	[tilespmem:s2+$0x14070] =	vst v0  }
0x2e: {  	[tilespmem:s2+$0x14000] =	vst v0  }
0x2f: {  	[tilespmem:s2+$0x14010] =	vst v0  }
0x30: {  	[tilespmem:s2+$0x14020] =	vst v0  }
0x31: {  	[tilespmem:s2+$0x14030] =	vst v0  }
0x32: {  	[tilespmem:s2+$0x14040] =	vst v0  }
0x33: {  	[tilespmem:s2+$0x14050] =	vst v0  }
0x34: {  	[tilespmem:s2+$0x14060] =	vst v0;
	s0 =	simm.s32 $0x0  }
0x35: {  	[tilespmem:s7], [sflag:$0x7] =	stream.linear.gather [hbm4b:s6+s0], $0x2710, $0x38;
	[tilespmem:$0x1F500] =	vst v63  }
0x36: {  	_ =	swait.ge [sflag:s8], $0x2710  }
0x37: {  	[sflag:s8] =	ssyncset.done $0x0  }
0x38: {  	s29 =	simm.s32 $0x0;
	s2 =	simm.s32 $0x40;
	[sflag:s8] =	ssyncadd.s32 $0xFFFFD8F0  }
.LBB2_4:
0x39: {  	p0 =	sne.s32 s2, $0x9C00;
	v7 =	vld [tilespmem:s29+$0x1B800];
	_ =	sdelay $0x3  }
.Ltmp1:
0x3a: {  	(pc) =	sbr.rel @p0 .LBB2_4-.Ltmp1, $2  }
0x3b: {  	_ =	sdelay $0x2  }
0x3c: {  	s29 =	sshra.s32 s2, $0x2;
	s2 =	sadd.s32 $0x40, s2;
	[tilespmem:v7+s9+$0x0] =	vst.idx.add.f32.msk $0xffff, v1  }
0x3d: {  	v7 =	vld [tilespmem:s29+$0x1B800];
	_ =	sdelay $0x7  }
0x3e: {  	[tilespmem:v7+s9+$0x0] =	vst.idx.add.f32.msk $0xffff, v1  }
0x3f: {  	[tilespmem:$0x1DF80] =	vst v2  }
0x40: {  	[tilespmem:$0x1DF90] =	vst v3  }
0x41: {  	[tilespmem:$0x1DFA0] =	vst v4  }
0x42: {  	[tilespmem:$0x1DFB0] =	vst v5  }
0x43: {  	s0 =	simm.s32 $0x0;
	s2 =	rddreg [dreg:$0x4];
	[tilespmem:$0x1DFC0] =	vst v6  }
0x44: {  	[tilespmem:s7], [sflag:$0x7] =	stream.linear.gather [hbm4b:s2+s0], $0x2710, $0x38;
	[tilespmem:$0x1F500] =	vst v63  }
0x45: {  	_ =	swait.ge [sflag:s8], $0x2710  }
0x46: {  	[sflag:s8] =	ssyncset.done $0x0  }
0x47: {  	s29 =	simm.s32 $0x200;
	s2 =	simm.s32 $0x0;
	[sflag:s8] =	ssyncadd.s32 $0xFFFFD8F0  }
.LBB2_6:
0x48: {  	p0 =	sne.s32 s29, $0x4E00;
	[tilespmem:s2+$0x1E170] =	vst v0  }
0x49: {  	[tilespmem:s2+$0x1E100] =	vst v0  }
0x4a: {  	[tilespmem:s2+$0x1E110] =	vst v0  }
.Ltmp2:
0x4b: {  	[tilespmem:s2+$0x1E120] =	vst v0;
	(pc) =	sbr.rel @p0 .LBB2_6-.Ltmp2, $4  }
0x4c: {  	[tilespmem:s2+$0x1E130] =	vst v0  }
0x4d: {  	[tilespmem:s2+$0x1E140] =	vst v0  }
0x4e: {  	[tilespmem:s2+$0x1E150] =	vst v0  }
0x4f: {  	[tilespmem:s2+$0x1E160] =	vst v0;
	s2 =	sshra.s32 s29, $0x2;
	s29 =	sadd.s32 $0x200, s29  }
0x50: {  	[tilespmem:s2+$0x1E170] =	vst v0  }
0x51: {  	[tilespmem:s2+$0x1E100] =	vst v0  }
0x52: {  	[tilespmem:s2+$0x1E110] =	vst v0  }
0x53: {  	[tilespmem:s2+$0x1E120] =	vst v0  }
0x54: {  	[tilespmem:s2+$0x1E130] =	vst v0  }
0x55: {  	[tilespmem:s2+$0x1E140] =	vst v0  }
0x56: {  	[tilespmem:s2+$0x1E150] =	vst v0  }
0x57: {  	[tilespmem:s2+$0x1E160] =	vst v0  }
0x58: {  	[spmem:s12] =	stream.linear.scatter [tilespmem:s10], [sflag:$0x7], $0x1400, $0x38;
	[tilespmem:$0x1F500] =	vst v63  }
0x59: {  	_ =	swait.ge [sflag:s8], $0x1400  }
0x5a: {  	[sflag:s8] =	ssyncset.done $0x0  }
0x5b: {  	s0 =	rddreg [dreg:$0xb];
	[sflag:s8] =	ssyncadd.s32 $0xFFFFEC00  }
0x5c: {  	[spmem:s0] =	stream.linear.scatter [tilespmem:s10], [sflag:$0x7], $0x1400, $0x38;
	[tilespmem:$0x1F500] =	vst v63  }
0x5d: {  	_ =	swait.ge [sflag:s8], $0x1400  }
0x5e: {  	[sflag:s8] =	ssyncset.done $0x0  }
0x5f: {  	s2 =	rddreg [dreg:$0xc];
	[sflag:s8] =	ssyncadd.s32 $0xFFFFEC00  }
0x60: {  	[spmem:s2] =	stream.linear.scatter [tilespmem:s10], [sflag:$0x7], $0x1400, $0x38;
	[tilespmem:$0x1F500] =	vst v63  }
0x61: {  	_ =	swait.ge [sflag:s8], $0x1400  }
0x62: {  	[sflag:s8] =	ssyncset.done $0x0  }
0x63: {  	s2 =	rddreg [dreg:$0xd];
	[sflag:s8] =	ssyncadd.s32 $0xFFFFEC00  }
0x64: {  	[spmem:s2] =	stream.linear.scatter [tilespmem:s10], [sflag:$0x7], $0x1400, $0x38;
	[tilespmem:$0x1F500] =	vst v63  }
0x65: {  	_ =	swait.ge [sflag:s8], $0x1400  }
0x66: {  	[sflag:s8] =	ssyncset.done $0x0  }
0x67: {  	s2 =	rddreg [dreg:$0xe];
	[sflag:s8] =	ssyncadd.s32 $0xFFFFEC00  }
0x68: {  	[spmem:s2] =	stream.linear.scatter [tilespmem:s10], [sflag:$0x7], $0x1400, $0x38;
	[tilespmem:$0x1F500] =	vst v63  }
0x69: {  	_ =	swait.ge [sflag:s8], $0x1400  }
0x6a: {  	[sflag:s8] =	ssyncset.done $0x0  }
0x6b: {  	s2 =	rddreg [dreg:$0xf];
	[sflag:s8] =	ssyncadd.s32 $0xFFFFEC00  }
0x6c: {  	[spmem:s2] =	stream.linear.scatter [tilespmem:s10], [sflag:$0x7], $0x1400, $0x38;
	[tilespmem:$0x1F500] =	vst v63  }
0x6d: {  	_ =	swait.ge [sflag:s8], $0x1400  }
0x6e: {  	[sflag:s8] =	ssyncset.done $0x0  }
0x6f: {  	s2 =	rddreg [dreg:$0x10];
	[sflag:s8] =	ssyncadd.s32 $0xFFFFEC00  }
0x70: {  	[spmem:s2] =	stream.linear.scatter [tilespmem:s10], [sflag:$0x7], $0x1400, $0x38;
	[tilespmem:$0x1F500] =	vst v63  }
0x71: {  	_ =	swait.ge [sflag:s8], $0x1400  }
0x72: {  	[sflag:s8] =	ssyncset.done $0x0  }
0x73: {  	s2 =	rddreg [dreg:$0x11];
	[sflag:s8] =	ssyncadd.s32 $0xFFFFEC00  }
0x74: {  	[spmem:s2] =	stream.linear.scatter [tilespmem:s10], [sflag:$0x7], $0x1400, $0x38;
	[tilespmem:$0x1F500] =	vst v63  }
0x75: {  	_ =	swait.ge [sflag:s8], $0x1400  }
0x76: {  	[sflag:s8] =	ssyncset.done $0x0  }
0x77: {  	s2 =	rddreg [dreg:$0x12];
	[sflag:s8] =	ssyncadd.s32 $0xFFFFEC00  }
0x78: {  	[spmem:s2] =	stream.linear.scatter [tilespmem:s10], [sflag:$0x7], $0x1400, $0x38;
	[tilespmem:$0x1F500] =	vst v63  }
0x79: {  	_ =	swait.ge [sflag:s8], $0x1400  }
0x7a: {  	[sflag:s8] =	ssyncset.done $0x0  }
0x7b: {  	s2 =	rddreg [dreg:$0x13];
	[sflag:s8] =	ssyncadd.s32 $0xFFFFEC00  }
0x7c: {  	[spmem:s2] =	stream.linear.scatter [tilespmem:s10], [sflag:$0x7], $0x1400, $0x38;
	[tilespmem:$0x1F500] =	vst v63  }
0x7d: {  	_ =	swait.ge [sflag:s8], $0x1400  }
0x7e: {  	[sflag:s8] =	ssyncset.done $0x0  }
0x7f: {  	s2 =	rddreg [dreg:$0x14];
	[sflag:s8] =	ssyncadd.s32 $0xFFFFEC00  }
0x80: {  	[spmem:s2] =	stream.linear.scatter [tilespmem:s10], [sflag:$0x7], $0x1400, $0x38;
	[tilespmem:$0x1F500] =	vst v63  }
0x81: {  	_ =	swait.ge [sflag:s8], $0x1400  }
0x82: {  	[sflag:s8] =	ssyncset.done $0x0  }
0x83: {  	s2 =	rddreg [dreg:$0x15];
	[sflag:s8] =	ssyncadd.s32 $0xFFFFEC00  }
0x84: {  	[spmem:s2] =	stream.linear.scatter [tilespmem:s10], [sflag:$0x7], $0x1400, $0x38;
	[tilespmem:$0x1F500] =	vst v63  }
0x85: {  	_ =	swait.ge [sflag:s8], $0x1400  }
0x86: {  	[sflag:s8] =	ssyncset.done $0x0  }
0x87: {  	s2 =	rddreg [dreg:$0x16];
	[sflag:s8] =	ssyncadd.s32 $0xFFFFEC00  }
0x88: {  	[spmem:s2] =	stream.linear.scatter [tilespmem:s10], [sflag:$0x7], $0x1400, $0x38;
	[tilespmem:$0x1F500] =	vst v63  }
0x89: {  	_ =	swait.ge [sflag:s8], $0x1400  }
0x8a: {  	[sflag:s8] =	ssyncset.done $0x0  }
0x8b: {  	s2 =	rddreg [dreg:$0x17];
	[sflag:s8] =	ssyncadd.s32 $0xFFFFEC00  }
0x8c: {  	[spmem:s2] =	stream.linear.scatter [tilespmem:s10], [sflag:$0x7], $0x1400, $0x38;
	[tilespmem:$0x1F500] =	vst v63  }
0x8d: {  	_ =	swait.ge [sflag:s8], $0x1400  }
0x8e: {  	[sflag:s8] =	ssyncset.done $0x0  }
0x8f: {  	s2 =	rddreg [dreg:$0x18];
	[sflag:s8] =	ssyncadd.s32 $0xFFFFEC00  }
0x90: {  	[spmem:s2] =	stream.linear.scatter [tilespmem:s10], [sflag:$0x7], $0x1400, $0x38;
	[tilespmem:$0x1F500] =	vst v63  }
0x91: {  	_ =	swait.ge [sflag:s8], $0x1400  }
0x92: {  	[sflag:s8] =	ssyncset.done $0x0  }
0x93: {  	s2 =	rddreg [dreg:$0x19];
	[sflag:s8] =	ssyncadd.s32 $0xFFFFEC00  }
0x94: {  	[spmem:s2] =	stream.linear.scatter [tilespmem:s10], [sflag:$0x7], $0x1400, $0x38;
	[tilespmem:$0x1F500] =	vst v63  }
0x95: {  	_ =	swait.ge [sflag:s8], $0x1400  }
0x96: {  	[sflag:s8] =	ssyncset.done $0x0  }
0x97: {  	[sflag:s8] =	ssyncadd.s32 $0xFFFFEC00  }
0x98: {  	[bflag:$0x0] =	sbarrier.arrive $0xFFFF  }
0x99: {  	[spmem:s3] =	stream.indirect.scatter.add.f32 [tilespmem:s9], [sflag:$0x7], $0x80, s13, s11, $0xb8;
	[tilespmem:$0x1F500] =	vst v63  }
0x9a: {  	_ =	swait.ge [sflag:s8], $0x2800  }
0x9b: {  	[sflag:s8] =	ssyncset.done $0x0  }
0x9c: {  	s0 =	simm.s32 $0x0;
	[sflag:s8] =	ssyncadd.s32 $0xFFFFD800  }
0x9d: {  	[tilespmem:s13], [sflag:$0x4] =	stream.linear.gather [hbm4b:s6+s0], $0x50, $0x38;
	[tilespmem:$0x1F500] =	vst v63  }
0x9e: {  	_ = 	snop  }
0x9f: {  	[tilespmem:s9], [sflag:$0x1] =	stream.indirect.gather [hbm4b:s1+s11], $0x80, s7, s11, $0xb8;
	[tilespmem:$0x1F500] =	vst v63  }
0xa0: {  	s7 =	rddreg [dreg:$0x5]  }
0xa1: {  	[tilespmem:s14], [sflag:$0x5] =	stream.linear.gather [hbm4b:s7+s0], $0x50, $0x38;
	[tilespmem:$0x1F500] =	vst v63  }
0xa2: {  	s7 =	simm.s32 $0x1B850  }
0xa3: {  	[tilespmem:s15], [sflag:$0x2] =	stream.indirect.gather [hbm4b:s1+s11], $0x80, s7, s11, $0xb8;
	[tilespmem:$0x1F500] =	vst v63  }
0xa4: {  	s7 =	rddreg [dreg:$0x6]  }
0xa5: {  	[tilespmem:s16], [sflag:$0x6] =	stream.linear.gather [hbm4b:s7+s0], $0x50, $0x38;
	[tilespmem:$0x1F500] =	vst v63  }
0xa6: {  	s2 =	simm.s32 $0x1B8A0  }
0xa7: {  	[tilespmem:s17], [sflag:$0x3] =	stream.indirect.gather [hbm4b:s1+s11], $0x80, s2, s11, $0xb8;
	[tilespmem:$0x1F500] =	vst v63  }
0xa8: {  	_ =	swait.ge [sflag:s18], $0x50  }
0xa9: {  	[sflag:s18] =	ssyncset.done $0x0  }
0xaa: {  	[sflag:s18] =	ssyncadd.s32 $0xFFFFFFB0  }
0xab: {  	_ =	swait.ge [sflag:s19], $0x2800  }
0xac: {  	[sflag:s19] =	ssyncset.done $0x0  }
0xad: {  	[sflag:s19] =	ssyncadd.s32 $0xFFFFD800  }
0xae: {  	[spmem:s3] =	stream.indirect.scatter.add.f32 [tilespmem:s9], [sflag:$0x7], $0x80, s13, s11, $0xb8;
	[tilespmem:$0x1F500] =	vst v63  }
0xaf: {  	_ =	swait.ge [sflag:s8], $0x2800  }
0xb0: {  	s7 =	sshrl.u32 s25, $0x3;
	[sflag:s8] =	ssyncset.done $0x0  }
0xb1: {  	s0 =	sadd.s32 s5, s7;
	[sflag:s8] =	ssyncadd.s32 $0xFFFFD800  }
0xb2: {  	[tilespmem:s13], [sflag:$0x4] =	stream.linear.gather [hbm4b:s0+s4], $0x50, $0x38;
	[tilespmem:$0x1F500] =	vst v63  }
0xb3: {  	s2 =	simm.s32 $0x1B8F0  }
0xb4: {  	[tilespmem:s9], [sflag:$0x1] =	stream.indirect.gather [hbm4b:s1+s11], $0x80, s2, s11, $0xb8;
	[tilespmem:$0x1F500] =	vst v63  }
0xb5: {  	_ =	swait.ge [sflag:s20], $0x50  }
0xb6: {  	[sflag:s20] =	ssyncset.done $0x0  }
0xb7: {  	[sflag:s20] =	ssyncadd.s32 $0xFFFFFFB0  }
0xb8: {  	_ =	swait.ge [sflag:s21], $0x2800  }
0xb9: {  	[sflag:s21] =	ssyncset.done $0x0  }
0xba: {  	[sflag:s21] =	ssyncadd.s32 $0xFFFFD800  }
0xbb: {  	[spmem:s3] =	stream.indirect.scatter.add.f32 [tilespmem:s15], [sflag:$0x7], $0x80, s14, s11, $0xb8;
	[tilespmem:$0x1F500] =	vst v63  }
0xbc: {  	_ =	swait.ge [sflag:s8], $0x2800  }
0xbd: {  	[sflag:s8] =	ssyncset.done $0x0  }
0xbe: {  	[sflag:s8] =	ssyncadd.s32 $0xFFFFD800  }
0xbf: {  	[tilespmem:s14], [sflag:$0x5] =	stream.linear.gather [hbm4b:s24+s4], $0x50, $0x38;
	[tilespmem:$0x1F500] =	vst v63  }
0xc0: {  	s7 =	simm.s32 $0x1B940  }
0xc1: {  	[tilespmem:s15], [sflag:$0x2] =	stream.indirect.gather [hbm4b:s1+s11], $0x80, s7, s11, $0xb8;
	[tilespmem:$0x1F500] =	vst v63  }
0xc2: {  	_ =	swait.ge [sflag:s22], $0x50  }
0xc3: {  	[sflag:s22] =	ssyncset.done $0x0  }
0xc4: {  	[sflag:s22] =	ssyncadd.s32 $0xFFFFFFB0  }
0xc5: {  	_ =	swait.ge [sflag:s26], $0x2800  }
0xc6: {  	[sflag:s26] =	ssyncset.done $0x0  }
0xc7: {  	[sflag:s26] =	ssyncadd.s32 $0xFFFFD800  }
0xc8: {  	[spmem:s3] =	stream.indirect.scatter.add.f32 [tilespmem:s17], [sflag:$0x7], $0x80, s16, s11, $0xb8;
	[tilespmem:$0x1F500] =	vst v63  }
0xc9: {  	s29 =	simm.s32 $0x3C0;
	_ =	swait.ge [sflag:s8], $0x2800  }
0xca: {  	s30 =	sadd.s32 $0xF0, s25;
	s31 =	sadd.s32 $0x1E, s23;
	[sflag:s8] =	ssyncset.done $0x0  }
0xcb: {  	s0 =	simm.s32 $0x1B990;
	s2 =	sadd.s32 $0x1E, s24;
	[sflag:s8] =	ssyncadd.s32 $0xFFFFD800  }
0xcc: {  	[tilespmem:s16], [sflag:$0x6] =	stream.linear.gather [hbm4b:s23+s4], $0x50, $0x38;
	[tilespmem:$0x1F500] =	vst v63  }
.LBB2_8:
0xcd: {  	[tilespmem:s17], [sflag:$0x3] =	stream.indirect.gather [hbm4b:s1+s11], $0x80, s0, s11, $0xb8;
	[tilespmem:$0x1F500] =	vst v63  }
0xce: {  	s0 =	smov.u32 s29  }
0xcf: {  	p0 =	sne.s32 s29, $0x9240;
	s29 =	sadd.s32 $0x3C0, s29;
	_ =	swait.ge [sflag:s18], $0x50  }
0xd0: {  	[sflag:s18] =	ssyncset.done $0x0  }
0xd1: {  	[sflag:s18] =	ssyncadd.s32 $0xFFFFFFB0  }
0xd2: {  	_ =	swait.ge [sflag:s19], $0x2800  }
0xd3: {  	[sflag:s19] =	ssyncset.done $0x0  }
0xd4: {  	[sflag:s19] =	ssyncadd.s32 $0xFFFFD800  }
0xd5: {  	[spmem:s3] =	stream.indirect.scatter.add.f32 [tilespmem:s9], [sflag:$0x7], $0x80, s13, s11, $0xb8;
	[tilespmem:$0x1F500] =	vst v63  }
0xd6: {  	_ =	swait.ge [sflag:s8], $0x2800  }
0xd7: {  	s7 =	sshrl.u32 s30, $0x3;
	[sflag:s8] =	ssyncset.done $0x0  }
0xd8: {  	s7 =	sadd.s32 s5, s7;
	s0 =	sshra.s32 s0, $0x2;
	[sflag:s8] =	ssyncadd.s32 $0xFFFFD800  }
0xd9: {  	[tilespmem:s13], [sflag:$0x4] =	stream.linear.gather [hbm4b:s7+s4], $0x50, $0x38;
	[tilespmem:$0x1F500] =	vst v63  }
0xda: {  	s7 =	sadd.s32 $0x1B8F0, s0  }
0xdb: {  	[tilespmem:s9], [sflag:$0x1] =	stream.indirect.gather [hbm4b:s1+s11], $0x80, s7, s11, $0xb8;
	[tilespmem:$0x1F500] =	vst v63  }
0xdc: {  	_ =	swait.ge [sflag:s20], $0x50  }
0xdd: {  	[sflag:s20] =	ssyncset.done $0x0  }
0xde: {  	[sflag:s20] =	ssyncadd.s32 $0xFFFFFFB0  }
0xdf: {  	_ =	swait.ge [sflag:s21], $0x2800  }
0xe0: {  	[sflag:s21] =	ssyncset.done $0x0  }
0xe1: {  	[sflag:s21] =	ssyncadd.s32 $0xFFFFD800  }
0xe2: {  	[spmem:s3] =	stream.indirect.scatter.add.f32 [tilespmem:s15], [sflag:$0x7], $0x80, s14, s11, $0xb8;
	[tilespmem:$0x1F500] =	vst v63  }
0xe3: {  	_ =	swait.ge [sflag:s8], $0x2800  }
0xe4: {  	[sflag:s8] =	ssyncset.done $0x0  }
0xe5: {  	[sflag:s8] =	ssyncadd.s32 $0xFFFFD800  }
0xe6: {  	[tilespmem:s14], [sflag:$0x5] =	stream.linear.gather [hbm4b:s2+s4], $0x50, $0x38;
	[tilespmem:$0x1F500] =	vst v63  }
0xe7: {  	s7 =	sadd.s32 $0x1B940, s0  }
0xe8: {  	[tilespmem:s15], [sflag:$0x2] =	stream.indirect.gather [hbm4b:s1+s11], $0x80, s7, s11, $0xb8;
	[tilespmem:$0x1F500] =	vst v63  }
0xe9: {  	_ =	swait.ge [sflag:s22], $0x50  }
0xea: {  	[sflag:s22] =	ssyncset.done $0x0  }
0xeb: {  	[sflag:s22] =	ssyncadd.s32 $0xFFFFFFB0  }
0xec: {  	_ =	swait.ge [sflag:s26], $0x2800  }
0xed: {  	[sflag:s26] =	ssyncset.done $0x0  }
0xee: {  	[sflag:s26] =	ssyncadd.s32 $0xFFFFD800  }
0xef: {  	[spmem:s3] =	stream.indirect.scatter.add.f32 [tilespmem:s17], [sflag:$0x7], $0x80, s16, s11, $0xb8;
	[tilespmem:$0x1F500] =	vst v63  }
.Ltmp3:
0xf0: {  	_ =	swait.ge [sflag:s8], $0x2800;
	(pc) =	sbr.rel @p0 .LBB2_8-.Ltmp3, $4  }
0xf1: {  	[sflag:s8] =	ssyncset.done $0x0  }
0xf2: {  	s30 =	sadd.s32 $0xF0, s30;
	[sflag:s8] =	ssyncadd.s32 $0xFFFFD800  }
0xf3: {  	[tilespmem:s16], [sflag:$0x6] =	stream.linear.gather [hbm4b:s31+s4], $0x50, $0x38;
	[tilespmem:$0x1F500] =	vst v63  }
0xf4: {  	s0 =	sadd.s32 $0x1B990, s0;
	s2 =	sadd.s32 $0x1E, s2;
	s31 =	sadd.s32 $0x1E, s31  }
0xf5: {  	[tilespmem:s17], [sflag:$0x3] =	stream.indirect.gather [hbm4b:s1+s11], $0x80, s0, s11, $0xb8;
	[tilespmem:$0x1F500] =	vst v63  }
0xf6: {  	_ =	swait.ge [sflag:s18], $0x50  }
0xf7: {  	[sflag:s18] =	ssyncset.done $0x0  }
0xf8: {  	[sflag:s18] =	ssyncadd.s32 $0xFFFFFFB0  }
0xf9: {  	_ =	swait.ge [sflag:s19], $0x2800  }
0xfa: {  	[sflag:s19] =	ssyncset.done $0x0  }
0xfb: {  	[sflag:s19] =	ssyncadd.s32 $0xFFFFD800  }
0xfc: {  	[spmem:s3] =	stream.indirect.scatter.add.f32 [tilespmem:s9], [sflag:$0x7], $0x80, s13, s11, $0xb8;
	[tilespmem:$0x1F500] =	vst v63  }
0xfd: {  	_ =	swait.ge [sflag:s8], $0x2800  }
0xfe: {  	[sflag:s8] =	ssyncset.done $0x0  }
0xff: {  	s31 =	rddreg [dreg:$0x7];
	[sflag:s8] =	ssyncadd.s32 $0xFFFFD800  }
0x100: {  	[tilespmem:s13], [sflag:$0x4] =	stream.linear.gather [hbm4b:s31+s4], $0x50, $0x38;
	[tilespmem:$0x1F500] =	vst v63  }
0x101: {  	s2 =	simm.s32 $0x1DE70  }
0x102: {  	[tilespmem:s9], [sflag:$0x1] =	stream.indirect.gather [hbm4b:s1+s11], $0x80, s2, s11, $0xb8;
	[tilespmem:$0x1F500] =	vst v63  }
0x103: {  	_ =	swait.ge [sflag:s20], $0x50  }
0x104: {  	[sflag:s20] =	ssyncset.done $0x0  }
0x105: {  	[sflag:s20] =	ssyncadd.s32 $0xFFFFFFB0  }
0x106: {  	_ =	swait.ge [sflag:s21], $0x2800  }
0x107: {  	[sflag:s21] =	ssyncset.done $0x0  }
0x108: {  	[sflag:s21] =	ssyncadd.s32 $0xFFFFD800  }
0x109: {  	[spmem:s3] =	stream.indirect.scatter.add.f32 [tilespmem:s15], [sflag:$0x7], $0x80, s14, s11, $0xb8;
	[tilespmem:$0x1F500] =	vst v63  }
0x10a: {  	_ =	swait.ge [sflag:s8], $0x2800  }
0x10b: {  	[sflag:s8] =	ssyncset.done $0x0  }
0x10c: {  	s7 =	rddreg [dreg:$0x8];
	[sflag:s8] =	ssyncadd.s32 $0xFFFFD800  }
0x10d: {  	[tilespmem:s14], [sflag:$0x5] =	stream.linear.gather [hbm4b:s7+s4], $0x50, $0x38;
	[tilespmem:$0x1F500] =	vst v63  }
0x10e: {  	s29 =	simm.s32 $0x1DEC0  }
0x10f: {  	[tilespmem:s15], [sflag:$0x2] =	stream.indirect.gather [hbm4b:s1+s11], $0x80, s29, s11, $0xb8;
	[tilespmem:$0x1F500] =	vst v63  }
0x110: {  	_ =	swait.ge [sflag:s22], $0x50  }
0x111: {  	[sflag:s22] =	ssyncset.done $0x0  }
0x112: {  	[sflag:s22] =	ssyncadd.s32 $0xFFFFFFB0  }
0x113: {  	_ =	swait.ge [sflag:s26], $0x2800  }
0x114: {  	[sflag:s26] =	ssyncset.done $0x0  }
0x115: {  	[sflag:s26] =	ssyncadd.s32 $0xFFFFD800  }
0x116: {  	[spmem:s3] =	stream.indirect.scatter.add.f32 [tilespmem:s17], [sflag:$0x7], $0x80, s16, s11, $0xb8;
	[tilespmem:$0x1F500] =	vst v63  }
0x117: {  	_ =	swait.ge [sflag:s8], $0x2800  }
0x118: {  	[sflag:s8] =	ssyncset.done $0x0  }
0x119: {  	[sflag:s8] =	ssyncadd.s32 $0xFFFFD800  }
0x11a: {  	_ =	swait.ge [sflag:s18], $0x50  }
0x11b: {  	[sflag:s18] =	ssyncset.done $0x0  }
0x11c: {  	[sflag:s18] =	ssyncadd.s32 $0xFFFFFFB0  }
0x11d: {  	_ =	swait.ge [sflag:s19], $0x2800  }
0x11e: {  	[sflag:s19] =	ssyncset.done $0x0  }
0x11f: {  	[sflag:s19] =	ssyncadd.s32 $0xFFFFD800  }
0x120: {  	[spmem:s3] =	stream.indirect.scatter.add.f32 [tilespmem:s9], [sflag:$0x7], $0x80, s13, s11, $0xb8;
	[tilespmem:$0x1F500] =	vst v63  }
0x121: {  	_ =	swait.ge [sflag:s8], $0x2800  }
0x122: {  	[sflag:s8] =	ssyncset.done $0x0  }
0x123: {  	[sflag:s8] =	ssyncadd.s32 $0xFFFFD800  }
0x124: {  	_ =	swait.ge [sflag:s20], $0x50  }
0x125: {  	[sflag:s20] =	ssyncset.done $0x0  }
0x126: {  	[sflag:s20] =	ssyncadd.s32 $0xFFFFFFB0  }
0x127: {  	_ =	swait.ge [sflag:s21], $0x2800  }
0x128: {  	[sflag:s21] =	ssyncset.done $0x0  }
0x129: {  	[sflag:s21] =	ssyncadd.s32 $0xFFFFD800  }
0x12a: {  	[spmem:s3] =	stream.indirect.scatter.add.f32 [tilespmem:s15], [sflag:$0x7], $0x80, s14, s11, $0xb8;
	[tilespmem:$0x1F500] =	vst v63  }
0x12b: {  	_ =	swait.ge [sflag:s8], $0x2800  }
0x12c: {  	[sflag:s8] =	ssyncset.done $0x0  }
0x12d: {  	s30 =	stileid.u32;
	[sflag:s8] =	ssyncadd.s32 $0xFFFFD800  }
0x12e: {  	s0 =	sshll.u32 s30, $0x6;
	[bflag:$0x0] =	sbarrier.arrive $0xFFFF  }
0x12f: {  	s0 =	sor.u32 $0x1C07, s0;
	s2 =	sshrl.u32 s12, $0x3;
	s7 =	rddreg [dreg:$0x9]  }
0x130: {  	[hbm:s7], [sflag:s0] =	dma.local [spmem:s2], $0x2800  }
0x131: {  	_ =	swait.ge [sflag:s8], $0x2800  }
0x132: {  	s28 =	sadd.s32 $0x1, s28;
	s31 =	rddreg [dreg:$0xa]  }
0x133: {  	p0 =	sne.s32 s28, s31  }
.Ltmp4:
0x134: {  	_ = 	snop;
	(pc) =	sbr.rel @p0 .LBB2_1-.Ltmp4, $3  }
0x135: {  	_ =	sdelay $0x1  }
0x136: {  	[sflag:s8] =	ssyncset.done $0x0  }
0x137: {  	s7 =	simm.s32 $0x1B800;
	[sflag:s8] =	ssyncadd.s32 $0xFFFFD800  }
0x138: {  	_ =	sfence.sel $0x180000  }
0x139: {  	[bflag:$0x0] =	sbarrier.arrive $0xFFFF  }
0x13a: {  	_ =	strace $0x90000047  }
0x13b: {  	s0 =	stileid.u32;
	[bflag:$0x2] =	sbarrier.arrive $0xFFFF  }
0x13c: {  	p0 =	sne.s32 s0, $0x0;
	s0 =	rddreg [dreg:$0x3]  }
0x13d: {  	s0 =	sadd.s32 @!p0 $0x100000, s0  }
0x13e: {  	[sflag:s0] =	ssyncadd.tile.s32 @!p0 $0x1;
	_ =	shalt  }
.Lfunc_end2:
_tile_overlayer_lowered:
.L_overlay_start_2:
0x13f: {  	(tag) =	ssettag $0x2  }
0x140: {  	s0 =	rddreg [dreg:$0x0];
	s2 =	stileid.u32  }
0x141: {  	s1 =	rddreg [dreg:$0x1];
	p0 =	sne.s32 s2, $0x0  }
0x142: {  	s3 =	rddreg [dreg:$0x2];
	[bflag:$0x3] =	sbarrier.arrive $0xFFFF;
	s2 =	simm.s32 @!p0 $0x1C07  }
0x143: {  	[timem:s3], [sflag:s2] =	dma.local @!p0 [hbm:s0], s1  }
0x144: {  	s0 =	simm.s32 @!p0 $0x7  }
0x145: {  	_ =	swait.ge @!p0 [sflag:s0], s1  }
0x146: {  	s1 =	ssub.s32 @!p0 $0x0, s1;
	[sflag:s0] =	ssyncset.done @!p0 $0x0  }
0x147: {  	[sflag:s0] =	ssyncadd.s32 @!p0 s1  }
0x148: {  	[bflag:$0x3] =	sbarrier.arrive $0xFFFF  }
0x149: {  	_ =	shalt  }

// kernel: kernel.9.cloned.1.call-start
scs
__scs_entry_jumppad:
0x0: {  	(pc) =	sbr.rel $0x88, $3  }
0x1: {  	(tag) =	ssettag $0x0;
	lr =	simm.s32 $0x1  }
0x2: {  	[smem:$0x3F97] =	sst lr;
	_ =	strace $0xD0000000  }
0x3: {  	_ = 	snop  }
0x4: {  	_ = 	snop  }
0x5: {  	_ = 	snop  }
0x6: {  	_ = 	snop  }
0x7: {  	_ = 	snop  }
__scs_overlays_trampoline_lowered:
0x8: {  	[smem:$0x3FA6] =	sst s0  }
0x9: {  	[smem:$0x3FA7] =	sst s1  }
0xa: {  	[smem:$0x3FA8] =	sst s2  }
0xb: {  	[smem:$0x3FA9] =	sst s3  }
0xc: {  	[smem:$0x3FAA] =	sst s4  }
0xd: {  	[smem:$0x3FAB] =	sst s5  }
0xe: {  	[smem:$0x3FAC] =	sst s6  }
0xf: {  	[smem:$0x3FAD] =	sst s7  }
0x10: {  	[smem:$0x3FAE] =	sst s8  }
0x11: {  	[smem:$0x3FAF] =	sst s9;
	s0 =	simm.s32 @!p0 $0x0  }
0x12: {  	s1 =	sld [smem:$0x3F95];
	s0 =	simm.s32 @p0 $0x1  }
0x13: {  	[smem:$0x3FB0] =	sst s0;
	s0 =	simm.s32 @!p1 $0x0  }
0x14: {  	s2 =	sld [smem:$0x3F94];
	s0 =	simm.s32 @p1 $0x1  }
0x15: {  	[smem:$0x3FB1] =	sst s0;
	s0 =	simm.s32 @!p2 $0x0  }
0x16: {  	s3 =	sld [smem:$0x3FDB];
	s0 =	simm.s32 @p2 $0x1  }
0x17: {  	s4 =	simm.s32 $0x1BF5;
	[smem:$0x3FB3] =	sst s0  }
0x18: {  	s0 =	sld [smem:$0x3F96];
	_ =	swait.ge [sflag:s4], $0x0  }
0x19: {  	s7 =	sld [smem:$0x3F97]  }
0x1a: {  	s8 =	sadd.s32 $0xFFFFE003, lr  }
0x1b: {  	s9 =	sadd.s32 $0xFFFFFEF7, lr;
	s5 =	simm.s32 $0xFFFFFFFF;
	p2 =	slt.u32 s8, $0xFFFFF086  }
0x1c: {  	p1 =	slt.u32 s9, $0xF7A;
	s5 =	simm.s32 @!p2 $0x0  }
0x1d: {  	s5 =	simm.s32 @p1 $0x1;
	p0 =	seq.s32 s7, s2  }
0x1e: {  	s7 =	smul.u32 @!p0 $0xF7A, s2;
	p2 =	seq.s32 @!p0 s5, $0x0  }
0x1f: {  	s9 =	smul.u32 $0xF7A, s1;
	s8 =	simm.s32 @!p0 $0x1BF5;
	p2 =	por !p2, p0  }
0x20: {  	[sflag:s8] =	ssyncset.s32 @!p0 $0xFFFFF086;
	s6 =	sadd.s32 @!p0 s3, s7;
	s7 =	simm.s32 @!p0 $0x108  }
0x21: {  	s3 =	sadd.s32 s3, s9;
	s6 =	sadd.s32 @!p0 $0x88, s6;
	s7 =	simm.s32 @p2 $0x1082  }
0x22: {  	[simem:s7], [sflag:s8] =	dma.local @!p0 [hbm:s6], $0xF7A  }
0x23: {  	s9 =	sor.u32 $0xD0000000, s2;
	s6 =	simm.s32 $0x108;
	_ =	swait.ge @!p0 [sflag:s8], $0x0  }
0x24: {  	s3 =	sadd.s32 $0x88, s3;
	s6 =	simm.s32 @!p1 $0x1082;
	[sflag:s4] =	ssyncset.s32 $0xFFFFF086  }
0x25: {  	[simem:s6], [sflag:s4] =	dma.local [hbm:s3], $0xF7A  }
0x26: {  	[smem:$0x3F97] =	sst s1;
	(tag) =	ssettag s2;
	_ =	strace s9  }
0x27: {  	s1 =	sld [smem:$0x3FA7]  }
0x28: {  	s2 =	sld [smem:$0x3FA8]  }
0x29: {  	s4 =	sld [smem:$0x3FAA]  }
0x2a: {  	p0 =	seq.s32 s5, $0x0;
	s5 =	sld [smem:$0x3FAB]  }
0x2b: {  	s6 =	sld [smem:$0x3FAC]  }
0x2c: {  	s7 =	sld [smem:$0x3FAD]  }
0x2d: {  	s3 =	simm.s32 $0x108;
	s8 =	sld [smem:$0x3FAE]  }
0x2e: {  	s3 =	simm.s32 @!p0 $0x1082;
	s9 =	sld [smem:$0x3FAF]  }
0x2f: {  	lr =	sadd.s32 s0, s3;
	s0 =	sld [smem:$0x3FA6]  }
0x30: {  	s3 =	sld [smem:$0x3FA9]  }
0x31: {  	[smem:$0x3FB2] =	sst s10  }
0x32: {  	s10 =	sld [smem:$0x3FB0];
	_ =	sdelay $0x3  }
0x33: {  	p0 =	seq.s32 s10, $0x1;
	s10 =	sld [smem:$0x3FB2];
	_ =	sdelay $0x3  }
0x34: {  	[smem:$0x3FB2] =	sst s10  }
0x35: {  	s10 =	sld [smem:$0x3FB1];
	_ =	sdelay $0x3  }
0x36: {  	p1 =	seq.s32 s10, $0x1;
	s10 =	sld [smem:$0x3FB2];
	_ =	sdelay $0x3  }
0x37: {  	[smem:$0x3FB2] =	sst s10  }
0x38: {  	s10 =	sld [smem:$0x3FB3]  }
0x39: {  	_ = 	snop;
	(pc) =	sbr.ind lr, $3  }
0x3a: {  	_ = 	snop  }
0x3b: {  	_ = 	snop  }
0x3c: {  	p2 =	seq.s32 s10, $0x1;
	s10 =	sld [smem:$0x3FB2]  }
0x3d: {  	_ =	shalt  }
0x3e: {  	_ =	shalt  }
0x3f: {  	_ =	shalt  }
0x40: {  	_ =	shalt  }
0x41: {  	_ =	shalt  }
0x42: {  	_ =	shalt  }
0x43: {  	_ =	shalt  }
0x44: {  	_ =	shalt  }
0x45: {  	_ =	shalt  }
0x46: {  	_ =	shalt  }
0x47: {  	_ =	shalt  }
0x48: {  	_ =	shalt  }
0x49: {  	_ =	shalt  }
0x4a: {  	_ =	shalt  }
0x4b: {  	_ =	shalt  }
0x4c: {  	_ =	shalt  }
0x4d: {  	_ =	shalt  }
0x4e: {  	_ =	shalt  }
0x4f: {  	_ =	shalt  }
0x50: {  	_ =	shalt  }
0x51: {  	_ =	shalt  }
0x52: {  	_ =	shalt  }
0x53: {  	_ =	shalt  }
0x54: {  	_ =	shalt  }
0x55: {  	_ =	shalt  }
0x56: {  	_ =	shalt  }
0x57: {  	_ =	shalt  }
0x58: {  	_ =	shalt  }
0x59: {  	_ =	shalt  }
0x5a: {  	_ =	shalt  }
0x5b: {  	_ =	shalt  }
0x5c: {  	_ =	shalt  }
0x5d: {  	_ =	shalt  }
0x5e: {  	_ =	shalt  }
0x5f: {  	_ =	shalt  }
0x60: {  	_ =	shalt  }
0x61: {  	_ =	shalt  }
0x62: {  	_ =	shalt  }
0x63: {  	_ =	shalt  }
0x64: {  	_ =	shalt  }
0x65: {  	_ =	shalt  }
0x66: {  	_ =	shalt  }
0x67: {  	_ =	shalt  }
0x68: {  	_ =	shalt  }
0x69: {  	_ =	shalt  }
0x6a: {  	_ =	shalt  }
0x6b: {  	_ =	shalt  }
0x6c: {  	_ =	shalt  }
0x6d: {  	_ =	shalt  }
0x6e: {  	_ =	shalt  }
0x6f: {  	_ =	shalt  }
0x70: {  	_ =	shalt  }
0x71: {  	_ =	shalt  }
0x72: {  	_ =	shalt  }
0x73: {  	_ =	shalt  }
0x74: {  	_ =	shalt  }
0x75: {  	_ =	shalt  }
0x76: {  	_ =	shalt  }
0x77: {  	_ =	shalt  }
0x78: {  	_ =	shalt  }
0x79: {  	_ =	shalt  }
0x7a: {  	_ =	shalt  }
0x7b: {  	_ =	shalt  }
0x7c: {  	_ =	shalt  }
0x7d: {  	_ =	shalt  }
0x7e: {  	_ =	shalt  }
0x7f: {  	_ =	shalt  }
0x80: {  	_ =	shalt  }
0x81: {  	_ =	shalt  }
0x82: {  	_ =	shalt  }
0x83: {  	_ =	shalt  }
0x84: {  	_ =	shalt  }
0x85: {  	_ =	shalt  }
0x86: {  	_ =	shalt  }
0x87: {  	_ =	shalt  }
.Lfunc_end0:
.L_simem_size_0:
called_computation.1_lowered:
.L_overlay_start_0:
0x88: {  	s2 =	sld [smem:$0x3FD9]  }
0x89: {  	s3 =	sld [smem:$0x3FFE];
	_ =	sdelay $0x1  }
0x8a: {  	s1 =	srdreg.scid  }
0x8b: {  	s0 =	sand.u32 $0x1, s1  }
0x8c: {  	s17 =	sshll.u32 s0, $0xA;
	s2 =	sadd.s32 s3, s2  }
0x8d: {  	s2 =	sadd.s32 s2, s17  }
0x8e: {  	[smem:$0x3FBE] =	sst s2  }
0x8f: {  	_ = 	snop  }
0x90: {  	s2 =	sld [smem:$0x3FD0];
	(tm) =	ssettm $0x1  }
0x91: {  	s18 =	sld [smem:$0x3FFB];
	_ =	sdelay $0x3  }
0x92: {  	_ =	strace s18  }
0x93: {  	s3 =	sld [smem:$0x3FFC];
	_ =	sdelay $0x3  }
0x94: {  	_ =	strace s3  }
0x95: {  	s3 =	sld [smem:$0x3FFD];
	_ =	sdelay $0x3  }
0x96: {  	_ =	strace s3  }
0x97: {  	_ =	strace $0x8FFFFFFF  }
0x98: {  	s19 =	sld [smem:$0x3FDB];
	_ =	sdelay $0x1  }
0x99: {  	s4 =	simm.s32 $_scs_section_size  }
0x9a: {  	s5 =	simm.s32 $_size__tile_overlayer_lowered;
	s6 =	simm.s32 $_tile_overlayer_lowered  }
0x9b: {  	s22 =	simm.s32 $0x1BFF;
	s21 =	sshll.u32 s6, $0x1;
	s3 =	sadd.s32 s4, s19  }
0x9c: {  	s7 =	simm.s32 $0x0;
	s20 =	sshll.u32 s5, $0x1;
	s5 =	sadd.s32 s21, s3  }
0x9d: {  	[timem:s7], [sflag:s22] =	dma.local [hbm:s5], s20  }
0x9e: {  	_ =	swait.ge [sflag:s22], s20  }
0x9f: {  	s4 =	ssub.s32 $0x0, s20;
	[sflag:s22] =	ssyncset.done $0x0  }
0xa0: {  	[sflag:s22] =	ssyncadd.s32 s4;
	_ =	sdelay $0x1  }
0xa1: {  	s23 =	simm.s32 $0x1B8B  }
0xa2: {  	_ =	swait.ge [sflag:s23], $0x1  }
0xa3: {  	[sflag:s23] =	ssyncset.done $0x0  }
0xa4: {  	s25 =	simm.s32 $0x1B8E;
	s24 =	sld [smem:$0x3FFE];
	[sflag:s23] =	ssyncadd.s32 $0xFFFFFFFF  }
0xa5: {  	s26 =	simm.s32 $execute0_lowered;
	[smem:$0x3FD2] =	sst s25  }
0xa6: {  	s5 =	sshll.u32 s26, $0x1;
	_ =	strace $0x80000049;
	[dreg:$0x1] =	wrdreg $0xFFFFFFFF  }
0xa7: {  	s28 =	simm.s32 $_size_execute0_lowered;
	s3 =	sadd.s32 s3, s5;
	[dreg:$0x0] =	wrdreg $0x0  }
0xa8: {  	s5 =	sshll.u32 s28, $0x1;
	[dreg:$0x2] =	wrdreg s3  }
0xa9: {  	[dreg:$0x3] =	wrdreg s5  }
0xaa: {  	[dreg:$0x4] =	wrdreg $0xC0  }
0xab: {  	_ =	task [dreg:s7], $0x5FFFF  }
0xac: {  	[dreg:$0x1] =	wrdreg $0xFFFFFFFF  }
0xad: {  	[dreg:$0x0] =	wrdreg $0x60  }
0xae: {  	[dreg:$0x2] =	wrdreg s2  }
0xaf: {  	[dreg:$0x3] =	wrdreg s24  }
0xb0: {  	[dreg:$0x4] =	wrdreg $0x0  }
0xb1: {  	[dreg:$0x5] =	wrdreg $0x9  }
0xb2: {  	_ =	task.clear_ibuf [dreg:s7], $0x6FFFF;
	_ =	strace $0x90000049  }
0xb3: {  	s29 =	simm.s32 $0x9;
	_ =	strace $0x8000004B  }
0xb4: {  	_ =	swait.ge [sflag:s29], $0x1  }
0xb5: {  	[sflag:s29] =	ssyncadd.s32 $0xFFFFFFFF  }
0xb6: {  	_ =	strace $0x9000004B  }
0xb7: {  	_ =	sfence  }
0xb8: {  	s30 =	sld [smem:$0x0];
	_ =	sdelay $0x2  }
0xb9: {  	s31 =	sshll.u32 s1, $0xD;
	s1 =	sshrl.u32 s1, $0x2  }
0xba: {  	s3 =	sand.u32 $0x4000, s31;
	s1 =	sadd.s32 s1, s30  }
0xbb: {  	s0 =	sor.u32 s3, s0;
	s1 =	sshll.u32 s1, $0x11  }
0xbc: {  	s0 =	sor.u32 s1, s0  }
0xbd: {  	s0 =	sadd.s32 $0x8F2B, s0  }
0xbe: {  	[sflag:s0] =	ssyncadd.remote.s32 $0x1  }
0xbf: {  	_ =	sfence.sel $0xFFFF  }
0xc0: {  	[dreg:$0x0] =	wrdreg $0xFFFFFFFF;
	(pc) =	sbr.abs _section_cstart, $3  }
0xc1: {  	[dreg:$0x1] =	wrdreg $0xFFFFFFFF  }
0xc2: {  	_ =	task.clear_ibuf [dreg:s7], $0x2FFFF;
	_ =	strace $0x9FFFFFFF  }
0xc3: {  	(tm) =	ssettm $0x7FFFFFFF  }
tec
execute0_lowered:
.L_overlay_start_1:
0x0: {  	(tag) =	ssettag $0x1  }
0x1: {  	s1 =	rddreg [dreg:$0x0]  }
0x2: {  	s0 =	srdreg.scid;
	s6 =	rddreg [dreg:$0x1]  }
0x3: {  	s11 =	stileid.u32;
	s3 =	rddreg [dreg:$0x2]  }
0x4: {  	s0 =	sand.u32 $0x1, s0;
	s2 =	sshll.u32 s11, $0x1;
	s5 =	smul.u32 $0x280, s11  }
0x5: {  	s4 =	simm.s32 $0x0;
	s2 =	sor.u32 s0, s2;
	s7 =	smul.u32 $0x2800, s0  }
0x6: {  	[smem:$0x7FF] =	sst s4;
	s19 =	ssub.s32 $0x2, s0;
	s2 =	smul.u32 $0x2710, s2  }
0x7: {  	_ =	strace $0x8000004A;
	s10 =	sshrl.u32 s19, $0x1;
	s5 =	sadd.s32 s5, s7  }
0x8: {  	s20 =	ssub.s32 s19, s10;
	s2 =	sshrl.u32 s2, $0x3;
	s9 =	sshll.u32 s5, $0x4  }
0x9: {  	s5 =	sadd.s32 $0x2000, s6;
	s31 =	smax.u32 s20, $0x1;
	s8 =	sadd.s32 s2, s6  }
0xa: {  	s7 =	sadd.s32 s5, s2;
	[dreg:$0xa] =	wrdreg s31;
	s21 =	sadd.s32 $0xBE00, s8  }
0xb: {  	s23 =	sadd.s32 $0xA, s7;
	[dreg:$0x4] =	wrdreg s21  }
0xc: {  	s22 =	smul.u32 $0x50000, s11;
	s24 =	sadd.s32 $0x14, s7;
	[dreg:$0x5] =	wrdreg s23  }
0xd: {  	s6 =	sadd.s32 s9, s6;
	s25 =	sadd.s32 $0x4CE, s7;
	[dreg:$0x6] =	wrdreg s24  }
0xe: {  	s2 =	sshrl.u32 s22, $0x2;
	s26 =	sadd.s32 $0x4D8, s7;
	[dreg:$0x7] =	wrdreg s25  }
0xf: {  	s12 =	sadd.s32 s2, s3;
	s30 =	sadd.s32 $0x15C00, s6;
	[dreg:$0x8] =	wrdreg s26  }
0x10: {  	s29 =	smul.u32 $0x4E20, s11;
	[dreg:$0x9] =	wrdreg s30;
	s6 =	sadd.s32 $0x1400, s12  }
0x11: {  	s0 =	smul.u32 $0x2710, s0;
	s9 =	sadd.s32 $0x2800, s12;
	[dreg:$0xb] =	wrdreg s6  }
0x12: {  	s28 =	simm.s32 $0x0;
	s10 =	sadd.s32 $0x3C00, s12;
	[dreg:$0xc] =	wrdreg s9  }
0x13: {  	s0 =	sadd.s32 s0, s29;
	s11 =	sadd.s32 $0x5000, s12;
	[dreg:$0xd] =	wrdreg s10  }
0x14: {  	s15 =	sadd.s32 $0x190, s0;
	s13 =	sadd.s32 $0x6400, s12;
	[dreg:$0xe] =	wrdreg s11  }
0x15: {  	s17 =	sadd.s32 $0x140, s0;
	s14 =	sadd.s32 $0x7800, s12;
	[dreg:$0xf] =	wrdreg s13  }
0x16: {  	s19 =	sshrl.u32 s17, $0x3;
	s16 =	sadd.s32 $0x8C00, s12;
	[dreg:$0x10] =	wrdreg s14  }
0x17: {  	s17 =	simm.s32 $0x1E100;
	s18 =	sadd.s32 $0xA000, s12;
	[dreg:$0x11] =	wrdreg s16  }
0x18: {  	s2 =	sshrl.u32 s15, $0x3;
	s20 =	sadd.s32 $0xB400, s12;
	[dreg:$0x12] =	wrdreg s18  }
0x19: {  	s8 =	simm.s32 $0x7;
	s21 =	sadd.s32 $0xC800, s12;
	[dreg:$0x13] =	wrdreg s20  }
0x1a: {  	s15 =	simm.s32 $0x1E080;
	s22 =	sadd.s32 $0xDC00, s12;
	[dreg:$0x14] =	wrdreg s21  }
0x1b: {  	s23 =	sadd.s32 s2, s5;
	s26 =	sadd.s32 $0xF000, s12;
	[dreg:$0x15] =	wrdreg s22  }
0x1c: {  	s24 =	sadd.s32 s19, s5;
	s29 =	sadd.s32 $0x10400, s12;
	[dreg:$0x16] =	wrdreg s26  }
0x1d: {  	s25 =	sadd.s32 $0xF0, s0;
	s30 =	sadd.s32 $0x11800, s12;
	[dreg:$0x17] =	wrdreg s29  }
0x1e: {  	s31 =	sadd.s32 $0x12C00, s12;
	s19 =	simm.s32 $0x1;
	[dreg:$0x18] =	wrdreg s30  }
0x1f: {  	[dreg:$0x19] =	wrdreg s31;
	s9 =	simm.s32 $0x1DF80;
	s10 =	simm.s32 $0x50  }
0x20: {  	s11 =	simm.s32 $0x14000;
	s13 =	simm.s32 $0x1E000;
	s14 =	simm.s32 $0x16800  }
0x21: {  	s16 =	simm.s32 $0x19000;
	s18 =	simm.s32 $0x4;
	s20 =	simm.s32 $0x5  }
0x22: {  	v0 =	vimm.f32 $0.0e+00;
	s21 =	simm.s32 $0x2;
	s22 =	simm.s32 $0x6;
	s26 =	simm.s32 $0x3  }
.LBB2_1:
0x23: {  	s0 =	rddreg [dreg:$0x4];
	s2 =	simm.s32 $0x1B800  }
0x24: {  	[tilespmem:s2], [sflag:$0x7] =	stream.linear.gather [hbm4b:s0+s4], $0x2710, $0x38;
	[tilespmem:$0x1F500] =	vst v63  }
0x25: {  	_ =	swait.ge [sflag:s8], $0x2710  }
0x26: {  	[sflag:s8] =	ssyncset.done $0x0  }
0x27: {  	[sflag:s8] =	ssyncadd.s32 $0xFFFFD8F0  }
0x28: {  	[tilespmem:s9], [sflag:$0x4] =	stream.linear.gather [hbm4b:s7+s4], $0x50, $0x38;
	[tilespmem:$0x1F500] =	vst v63  }
0x29: {  	_ = 	snop  }
0x2a: {  	[tilespmem:s11], [sflag:$0x1] =	stream.indirect.gather [hbm4b:s1+s10], $0x80, s2, s10, $0xb8;
	[tilespmem:$0x1F500] =	vst v63  }
0x2b: {  	s2 =	rddreg [dreg:$0x5]  }
0x2c: {  	[tilespmem:s13], [sflag:$0x5] =	stream.linear.gather [hbm4b:s2+s4], $0x50, $0x38;
	[tilespmem:$0x1F500] =	vst v63  }
0x2d: {  	s6 =	simm.s32 $0x1B850  }
0x2e: {  	[tilespmem:s14], [sflag:$0x2] =	stream.indirect.gather [hbm4b:s1+s10], $0x80, s6, s10, $0xb8;
	[tilespmem:$0x1F500] =	vst v63  }
0x2f: {  	s30 =	rddreg [dreg:$0x6]  }
0x30: {  	[tilespmem:s15], [sflag:$0x6] =	stream.linear.gather [hbm4b:s30+s4], $0x50, $0x38;
	[tilespmem:$0x1F500] =	vst v63  }
0x31: {  	s31 =	simm.s32 $0x1B8A0;
	s29 =	simm.s32 $0x200;
	s6 =	simm.s32 $0x0  }
0x32: {  	[tilespmem:s16], [sflag:$0x3] =	stream.indirect.gather [hbm4b:s1+s10], $0x80, s31, s10, $0xb8;
	[tilespmem:$0x1F500] =	vst v63  }
.LBB2_2:
0x33: {  	p0 =	sne.s32 s29, $0x4E00;
	[tilespmem:s6+$0x1E170] =	vst v0  }
0x34: {  	[tilespmem:s6+$0x1E100] =	vst v0  }
0x35: {  	[tilespmem:s6+$0x1E110] =	vst v0  }
.Ltmp0:
0x36: {  	[tilespmem:s6+$0x1E120] =	vst v0;
	(pc) =	sbr.rel @p0 .LBB2_2-.Ltmp0, $4  }
0x37: {  	[tilespmem:s6+$0x1E130] =	vst v0  }
0x38: {  	[tilespmem:s6+$0x1E140] =	vst v0  }
0x39: {  	[tilespmem:s6+$0x1E150] =	vst v0  }
0x3a: {  	[tilespmem:s6+$0x1E160] =	vst v0;
	s6 =	sshra.s32 s29, $0x2;
	s29 =	sadd.s32 $0x200, s29  }
0x3b: {  	[tilespmem:s6+$0x1E170] =	vst v0  }
0x3c: {  	[tilespmem:s6+$0x1E100] =	vst v0  }
0x3d: {  	[tilespmem:s6+$0x1E110] =	vst v0  }
0x3e: {  	[tilespmem:s6+$0x1E120] =	vst v0  }
0x3f: {  	[tilespmem:s6+$0x1E130] =	vst v0  }
0x40: {  	[tilespmem:s6+$0x1E140] =	vst v0  }
0x41: {  	[tilespmem:s6+$0x1E150] =	vst v0  }
0x42: {  	[tilespmem:s6+$0x1E160] =	vst v0  }
0x43: {  	[spmem:s12] =	stream.linear.scatter [tilespmem:s17], [sflag:$0x7], $0x1400, $0x38;
	[tilespmem:$0x1F500] =	vst v63  }
0x44: {  	_ =	swait.ge [sflag:s8], $0x1400  }
0x45: {  	[sflag:s8] =	ssyncset.done $0x0  }
0x46: {  	s0 =	rddreg [dreg:$0xb];
	[sflag:s8] =	ssyncadd.s32 $0xFFFFEC00  }
0x47: {  	[spmem:s0] =	stream.linear.scatter [tilespmem:s17], [sflag:$0x7], $0x1400, $0x38;
	[tilespmem:$0x1F500] =	vst v63  }
0x48: {  	_ =	swait.ge [sflag:s8], $0x1400  }
0x49: {  	[sflag:s8] =	ssyncset.done $0x0  }
0x4a: {  	s2 =	rddreg [dreg:$0xc];
	[sflag:s8] =	ssyncadd.s32 $0xFFFFEC00  }
0x4b: {  	[spmem:s2] =	stream.linear.scatter [tilespmem:s17], [sflag:$0x7], $0x1400, $0x38;
	[tilespmem:$0x1F500] =	vst v63  }
0x4c: {  	_ =	swait.ge [sflag:s8], $0x1400  }
0x4d: {  	[sflag:s8] =	ssyncset.done $0x0  }
0x4e: {  	s6 =	rddreg [dreg:$0xd];
	[sflag:s8] =	ssyncadd.s32 $0xFFFFEC00  }
0x4f: {  	[spmem:s6] =	stream.linear.scatter [tilespmem:s17], [sflag:$0x7], $0x1400, $0x38;
	[tilespmem:$0x1F500] =	vst v63  }
0x50: {  	_ =	swait.ge [sflag:s8], $0x1400  }
0x51: {  	[sflag:s8] =	ssyncset.done $0x0  }
0x52: {  	s2 =	rddreg [dreg:$0xe];
	[sflag:s8] =	ssyncadd.s32 $0xFFFFEC00  }
0x53: {  	[spmem:s2] =	stream.linear.scatter [tilespmem:s17], [sflag:$0x7], $0x1400, $0x38;
	[tilespmem:$0x1F500] =	vst v63  }
0x54: {  	_ =	swait.ge [sflag:s8], $0x1400  }
0x55: {  	[sflag:s8] =	ssyncset.done $0x0  }
0x56: {  	s6 =	rddreg [dreg:$0xf];
	[sflag:s8] =	ssyncadd.s32 $0xFFFFEC00  }
0x57: {  	[spmem:s6] =	stream.linear.scatter [tilespmem:s17], [sflag:$0x7], $0x1400, $0x38;
	[tilespmem:$0x1F500] =	vst v63  }
0x58: {  	_ =	swait.ge [sflag:s8], $0x1400  }
0x59: {  	[sflag:s8] =	ssyncset.done $0x0  }
0x5a: {  	s2 =	rddreg [dreg:$0x10];
	[sflag:s8] =	ssyncadd.s32 $0xFFFFEC00  }
0x5b: {  	[spmem:s2] =	stream.linear.scatter [tilespmem:s17], [sflag:$0x7], $0x1400, $0x38;
	[tilespmem:$0x1F500] =	vst v63  }
0x5c: {  	_ =	swait.ge [sflag:s8], $0x1400  }
0x5d: {  	[sflag:s8] =	ssyncset.done $0x0  }
0x5e: {  	s6 =	rddreg [dreg:$0x11];
	[sflag:s8] =	ssyncadd.s32 $0xFFFFEC00  }
0x5f: {  	[spmem:s6] =	stream.linear.scatter [tilespmem:s17], [sflag:$0x7], $0x1400, $0x38;
	[tilespmem:$0x1F500] =	vst v63  }
0x60: {  	_ =	swait.ge [sflag:s8], $0x1400  }
0x61: {  	[sflag:s8] =	ssyncset.done $0x0  }
0x62: {  	s2 =	rddreg [dreg:$0x12];
	[sflag:s8] =	ssyncadd.s32 $0xFFFFEC00  }
0x63: {  	[spmem:s2] =	stream.linear.scatter [tilespmem:s17], [sflag:$0x7], $0x1400, $0x38;
	[tilespmem:$0x1F500] =	vst v63  }
0x64: {  	_ =	swait.ge [sflag:s8], $0x1400  }
0x65: {  	[sflag:s8] =	ssyncset.done $0x0  }
0x66: {  	s6 =	rddreg [dreg:$0x13];
	[sflag:s8] =	ssyncadd.s32 $0xFFFFEC00  }
0x67: {  	[spmem:s6] =	stream.linear.scatter [tilespmem:s17], [sflag:$0x7], $0x1400, $0x38;
	[tilespmem:$0x1F500] =	vst v63  }
0x68: {  	_ =	swait.ge [sflag:s8], $0x1400  }
0x69: {  	[sflag:s8] =	ssyncset.done $0x0  }
0x6a: {  	s2 =	rddreg [dreg:$0x14];
	[sflag:s8] =	ssyncadd.s32 $0xFFFFEC00  }
0x6b: {  	[spmem:s2] =	stream.linear.scatter [tilespmem:s17], [sflag:$0x7], $0x1400, $0x38;
	[tilespmem:$0x1F500] =	vst v63  }
0x6c: {  	_ =	swait.ge [sflag:s8], $0x1400  }
0x6d: {  	[sflag:s8] =	ssyncset.done $0x0  }
0x6e: {  	s6 =	rddreg [dreg:$0x15];
	[sflag:s8] =	ssyncadd.s32 $0xFFFFEC00  }
0x6f: {  	[spmem:s6] =	stream.linear.scatter [tilespmem:s17], [sflag:$0x7], $0x1400, $0x38;
	[tilespmem:$0x1F500] =	vst v63  }
0x70: {  	_ =	swait.ge [sflag:s8], $0x1400  }
0x71: {  	[sflag:s8] =	ssyncset.done $0x0  }
0x72: {  	s2 =	rddreg [dreg:$0x16];
	[sflag:s8] =	ssyncadd.s32 $0xFFFFEC00  }
0x73: {  	[spmem:s2] =	stream.linear.scatter [tilespmem:s17], [sflag:$0x7], $0x1400, $0x38;
	[tilespmem:$0x1F500] =	vst v63  }
0x74: {  	_ =	swait.ge [sflag:s8], $0x1400  }
0x75: {  	[sflag:s8] =	ssyncset.done $0x0  }
0x76: {  	s6 =	rddreg [dreg:$0x17];
	[sflag:s8] =	ssyncadd.s32 $0xFFFFEC00  }
0x77: {  	[spmem:s6] =	stream.linear.scatter [tilespmem:s17], [sflag:$0x7], $0x1400, $0x38;
	[tilespmem:$0x1F500] =	vst v63  }
0x78: {  	_ =	swait.ge [sflag:s8], $0x1400  }
0x79: {  	[sflag:s8] =	ssyncset.done $0x0  }
0x7a: {  	s2 =	rddreg [dreg:$0x18];
	[sflag:s8] =	ssyncadd.s32 $0xFFFFEC00  }
0x7b: {  	[spmem:s2] =	stream.linear.scatter [tilespmem:s17], [sflag:$0x7], $0x1400, $0x38;
	[tilespmem:$0x1F500] =	vst v63  }
0x7c: {  	_ =	swait.ge [sflag:s8], $0x1400  }
0x7d: {  	[sflag:s8] =	ssyncset.done $0x0  }
0x7e: {  	s6 =	rddreg [dreg:$0x19];
	[sflag:s8] =	ssyncadd.s32 $0xFFFFEC00  }
0x7f: {  	[spmem:s6] =	stream.linear.scatter [tilespmem:s17], [sflag:$0x7], $0x1400, $0x38;
	[tilespmem:$0x1F500] =	vst v63  }
0x80: {  	_ =	swait.ge [sflag:s8], $0x1400  }
0x81: {  	[sflag:s8] =	ssyncset.done $0x0  }
0x82: {  	[sflag:s8] =	ssyncadd.s32 $0xFFFFEC00  }
0x83: {  	[bflag:$0x0] =	sbarrier.arrive $0xFFFF  }
0x84: {  	_ =	swait.ge [sflag:s18], $0x50  }
0x85: {  	[sflag:s18] =	ssyncset.done $0x0  }
0x86: {  	[sflag:s18] =	ssyncadd.s32 $0xFFFFFFB0  }
0x87: {  	_ =	swait.ge [sflag:s19], $0x2800  }
0x88: {  	[sflag:s19] =	ssyncset.done $0x0  }
0x89: {  	[sflag:s19] =	ssyncadd.s32 $0xFFFFD800  }
0x8a: {  	[spmem:s3] =	stream.indirect.scatter.add.f32 [tilespmem:s11], [sflag:$0x7], $0x80, s9, s10, $0xb8;
	[tilespmem:$0x1F500] =	vst v63  }
0x8b: {  	_ =	swait.ge [sflag:s8], $0x2800  }
0x8c: {  	s2 =	sshrl.u32 s25, $0x3;
	[sflag:s8] =	ssyncset.done $0x0  }
0x8d: {  	s2 =	sadd.s32 s5, s2;
	[sflag:s8] =	ssyncadd.s32 $0xFFFFD800  }
0x8e: {  	[tilespmem:s9], [sflag:$0x4] =	stream.linear.gather [hbm4b:s2+s4], $0x50, $0x38;
	[tilespmem:$0x1F500] =	vst v63  }
0x8f: {  	s0 =	simm.s32 $0x1B8F0  }
0x90: {  	[tilespmem:s11], [sflag:$0x1] =	stream.indirect.gather [hbm4b:s1+s10], $0x80, s0, s10, $0xb8;
	[tilespmem:$0x1F500] =	vst v63  }
0x91: {  	_ =	swait.ge [sflag:s20], $0x50  }
0x92: {  	[sflag:s20] =	ssyncset.done $0x0  }
0x93: {  	[sflag:s20] =	ssyncadd.s32 $0xFFFFFFB0  }
0x94: {  	_ =	swait.ge [sflag:s21], $0x2800  }
0x95: {  	[sflag:s21] =	ssyncset.done $0x0  }
0x96: {  	[sflag:s21] =	ssyncadd.s32 $0xFFFFD800  }
0x97: {  	[spmem:s3] =	stream.indirect.scatter.add.f32 [tilespmem:s14], [sflag:$0x7], $0x80, s13, s10, $0xb8;
	[tilespmem:$0x1F500] =	vst v63  }
0x98: {  	_ =	swait.ge [sflag:s8], $0x2800  }
0x99: {  	[sflag:s8] =	ssyncset.done $0x0  }
0x9a: {  	[sflag:s8] =	ssyncadd.s32 $0xFFFFD800  }
0x9b: {  	[tilespmem:s13], [sflag:$0x5] =	stream.linear.gather [hbm4b:s24+s4], $0x50, $0x38;
	[tilespmem:$0x1F500] =	vst v63  }
0x9c: {  	s6 =	simm.s32 $0x1B940  }
0x9d: {  	[tilespmem:s14], [sflag:$0x2] =	stream.indirect.gather [hbm4b:s1+s10], $0x80, s6, s10, $0xb8;
	[tilespmem:$0x1F500] =	vst v63  }
0x9e: {  	_ =	swait.ge [sflag:s22], $0x50  }
0x9f: {  	[sflag:s22] =	ssyncset.done $0x0  }
0xa0: {  	[sflag:s22] =	ssyncadd.s32 $0xFFFFFFB0  }
0xa1: {  	_ =	swait.ge [sflag:s26], $0x2800  }
0xa2: {  	[sflag:s26] =	ssyncset.done $0x0  }
0xa3: {  	[sflag:s26] =	ssyncadd.s32 $0xFFFFD800  }
0xa4: {  	[spmem:s3] =	stream.indirect.scatter.add.f32 [tilespmem:s16], [sflag:$0x7], $0x80, s15, s10, $0xb8;
	[tilespmem:$0x1F500] =	vst v63  }
0xa5: {  	s29 =	sadd.s32 $0xF0, s25;
	_ =	swait.ge [sflag:s8], $0x2800  }
0xa6: {  	s30 =	sadd.s32 $0x1E, s23;
	s31 =	sadd.s32 $0x1E, s24;
	[sflag:s8] =	ssyncset.done $0x0  }
0xa7: {  	s2 =	simm.s32 $0x1B990;
	s6 =	simm.s32 $0x3C0;
	[sflag:s8] =	ssyncadd.s32 $0xFFFFD800  }
0xa8: {  	[tilespmem:s15], [sflag:$0x6] =	stream.linear.gather [hbm4b:s23+s4], $0x50, $0x38;
	[tilespmem:$0x1F500] =	vst v63  }
.LBB2_4:
0xa9: {  	[tilespmem:s16], [sflag:$0x3] =	stream.indirect.gather [hbm4b:s1+s10], $0x80, s2, s10, $0xb8;
	[tilespmem:$0x1F500] =	vst v63  }
0xaa: {  	s2 =	smov.u32 s6  }
0xab: {  	p0 =	sne.s32 s6, $0x9240;
	s6 =	sadd.s32 $0x3C0, s6;
	_ =	swait.ge [sflag:s18], $0x50  }
0xac: {  	[sflag:s18] =	ssyncset.done $0x0  }
0xad: {  	[sflag:s18] =	ssyncadd.s32 $0xFFFFFFB0  }
0xae: {  	_ =	swait.ge [sflag:s19], $0x2800  }
0xaf: {  	[sflag:s19] =	ssyncset.done $0x0  }
0xb0: {  	[sflag:s19] =	ssyncadd.s32 $0xFFFFD800  }
0xb1: {  	[spmem:s3] =	stream.indirect.scatter.add.f32 [tilespmem:s11], [sflag:$0x7], $0x80, s9, s10, $0xb8;
	[tilespmem:$0x1F500] =	vst v63  }
0xb2: {  	_ =	swait.ge [sflag:s8], $0x2800  }
0xb3: {  	s0 =	sshrl.u32 s29, $0x3;
	[sflag:s8] =	ssyncset.done $0x0  }
0xb4: {  	s0 =	sadd.s32 s5, s0;
	s2 =	sshra.s32 s2, $0x2;
	[sflag:s8] =	ssyncadd.s32 $0xFFFFD800  }
0xb5: {  	[tilespmem:s9], [sflag:$0x4] =	stream.linear.gather [hbm4b:s0+s4], $0x50, $0x38;
	[tilespmem:$0x1F500] =	vst v63  }
0xb6: {  	s0 =	sadd.s32 $0x1B8F0, s2  }
0xb7: {  	[tilespmem:s11], [sflag:$0x1] =	stream.indirect.gather [hbm4b:s1+s10], $0x80, s0, s10, $0xb8;
	[tilespmem:$0x1F500] =	vst v63  }
0xb8: {  	_ =	swait.ge [sflag:s20], $0x50  }
0xb9: {  	[sflag:s20] =	ssyncset.done $0x0  }
0xba: {  	[sflag:s20] =	ssyncadd.s32 $0xFFFFFFB0  }
0xbb: {  	_ =	swait.ge [sflag:s21], $0x2800  }
0xbc: {  	[sflag:s21] =	ssyncset.done $0x0  }
0xbd: {  	[sflag:s21] =	ssyncadd.s32 $0xFFFFD800  }
0xbe: {  	[spmem:s3] =	stream.indirect.scatter.add.f32 [tilespmem:s14], [sflag:$0x7], $0x80, s13, s10, $0xb8;
	[tilespmem:$0x1F500] =	vst v63  }
0xbf: {  	_ =	swait.ge [sflag:s8], $0x2800  }
0xc0: {  	[sflag:s8] =	ssyncset.done $0x0  }
0xc1: {  	[sflag:s8] =	ssyncadd.s32 $0xFFFFD800  }
0xc2: {  	[tilespmem:s13], [sflag:$0x5] =	stream.linear.gather [hbm4b:s31+s4], $0x50, $0x38;
	[tilespmem:$0x1F500] =	vst v63  }
0xc3: {  	s0 =	sadd.s32 $0x1B940, s2  }
0xc4: {  	[tilespmem:s14], [sflag:$0x2] =	stream.indirect.gather [hbm4b:s1+s10], $0x80, s0, s10, $0xb8;
	[tilespmem:$0x1F500] =	vst v63  }
0xc5: {  	_ =	swait.ge [sflag:s22], $0x50  }
0xc6: {  	[sflag:s22] =	ssyncset.done $0x0  }
0xc7: {  	[sflag:s22] =	ssyncadd.s32 $0xFFFFFFB0  }
0xc8: {  	_ =	swait.ge [sflag:s26], $0x2800  }
0xc9: {  	[sflag:s26] =	ssyncset.done $0x0  }
0xca: {  	[sflag:s26] =	ssyncadd.s32 $0xFFFFD800  }
0xcb: {  	[spmem:s3] =	stream.indirect.scatter.add.f32 [tilespmem:s16], [sflag:$0x7], $0x80, s15, s10, $0xb8;
	[tilespmem:$0x1F500] =	vst v63  }
.Ltmp1:
0xcc: {  	_ =	swait.ge [sflag:s8], $0x2800;
	(pc) =	sbr.rel @p0 .LBB2_4-.Ltmp1, $4  }
0xcd: {  	[sflag:s8] =	ssyncset.done $0x0  }
0xce: {  	s29 =	sadd.s32 $0xF0, s29;
	[sflag:s8] =	ssyncadd.s32 $0xFFFFD800  }
0xcf: {  	[tilespmem:s15], [sflag:$0x6] =	stream.linear.gather [hbm4b:s30+s4], $0x50, $0x38;
	[tilespmem:$0x1F500] =	vst v63  }
0xd0: {  	s2 =	sadd.s32 $0x1B990, s2;
	s31 =	sadd.s32 $0x1E, s31;
	s30 =	sadd.s32 $0x1E, s30  }
0xd1: {  	[tilespmem:s16], [sflag:$0x3] =	stream.indirect.gather [hbm4b:s1+s10], $0x80, s2, s10, $0xb8;
	[tilespmem:$0x1F500] =	vst v63  }
0xd2: {  	_ =	swait.ge [sflag:s18], $0x50  }
0xd3: {  	[sflag:s18] =	ssyncset.done $0x0  }
0xd4: {  	[sflag:s18] =	ssyncadd.s32 $0xFFFFFFB0  }
0xd5: {  	_ =	swait.ge [sflag:s19], $0x2800  }
0xd6: {  	[sflag:s19] =	ssyncset.done $0x0  }
0xd7: {  	[sflag:s19] =	ssyncadd.s32 $0xFFFFD800  }
0xd8: {  	[spmem:s3] =	stream.indirect.scatter.add.f32 [tilespmem:s11], [sflag:$0x7], $0x80, s9, s10, $0xb8;
	[tilespmem:$0x1F500] =	vst v63  }
0xd9: {  	_ =	swait.ge [sflag:s8], $0x2800  }
0xda: {  	[sflag:s8] =	ssyncset.done $0x0  }
0xdb: {  	s0 =	rddreg [dreg:$0x7];
	[sflag:s8] =	ssyncadd.s32 $0xFFFFD800  }
0xdc: {  	[tilespmem:s9], [sflag:$0x4] =	stream.linear.gather [hbm4b:s0+s4], $0x50, $0x38;
	[tilespmem:$0x1F500] =	vst v63  }
0xdd: {  	s31 =	simm.s32 $0x1DE70  }
0xde: {  	[tilespmem:s11], [sflag:$0x1] =	stream.indirect.gather [hbm4b:s1+s10], $0x80, s31, s10, $0xb8;
	[tilespmem:$0x1F500] =	vst v63  }
0xdf: {  	_ =	swait.ge [sflag:s20], $0x50  }
0xe0: {  	[sflag:s20] =	ssyncset.done $0x0  }
0xe1: {  	[sflag:s20] =	ssyncadd.s32 $0xFFFFFFB0  }
0xe2: {  	_ =	swait.ge [sflag:s21], $0x2800  }
0xe3: {  	[sflag:s21] =	ssyncset.done $0x0  }
0xe4: {  	[sflag:s21] =	ssyncadd.s32 $0xFFFFD800  }
0xe5: {  	[spmem:s3] =	stream.indirect.scatter.add.f32 [tilespmem:s14], [sflag:$0x7], $0x80, s13, s10, $0xb8;
	[tilespmem:$0x1F500] =	vst v63  }
0xe6: {  	_ =	swait.ge [sflag:s8], $0x2800  }
0xe7: {  	[sflag:s8] =	ssyncset.done $0x0  }
0xe8: {  	s2 =	rddreg [dreg:$0x8];
	[sflag:s8] =	ssyncadd.s32 $0xFFFFD800  }
0xe9: {  	[tilespmem:s13], [sflag:$0x5] =	stream.linear.gather [hbm4b:s2+s4], $0x50, $0x38;
	[tilespmem:$0x1F500] =	vst v63  }
0xea: {  	s6 =	simm.s32 $0x1DEC0  }
0xeb: {  	[tilespmem:s14], [sflag:$0x2] =	stream.indirect.gather [hbm4b:s1+s10], $0x80, s6, s10, $0xb8;
	[tilespmem:$0x1F500] =	vst v63  }
0xec: {  	_ =	swait.ge [sflag:s22], $0x50  }
0xed: {  	[sflag:s22] =	ssyncset.done $0x0  }
0xee: {  	[sflag:s22] =	ssyncadd.s32 $0xFFFFFFB0  }
0xef: {  	_ =	swait.ge [sflag:s26], $0x2800  }
0xf0: {  	[sflag:s26] =	ssyncset.done $0x0  }
0xf1: {  	[sflag:s26] =	ssyncadd.s32 $0xFFFFD800  }
0xf2: {  	[spmem:s3] =	stream.indirect.scatter.add.f32 [tilespmem:s16], [sflag:$0x7], $0x80, s15, s10, $0xb8;
	[tilespmem:$0x1F500] =	vst v63  }
0xf3: {  	_ =	swait.ge [sflag:s8], $0x2800  }
0xf4: {  	[sflag:s8] =	ssyncset.done $0x0  }
0xf5: {  	[sflag:s8] =	ssyncadd.s32 $0xFFFFD800  }
0xf6: {  	_ =	swait.ge [sflag:s18], $0x50  }
0xf7: {  	[sflag:s18] =	ssyncset.done $0x0  }
0xf8: {  	[sflag:s18] =	ssyncadd.s32 $0xFFFFFFB0  }
0xf9: {  	_ =	swait.ge [sflag:s19], $0x2800  }
0xfa: {  	[sflag:s19] =	ssyncset.done $0x0  }
0xfb: {  	[sflag:s19] =	ssyncadd.s32 $0xFFFFD800  }
0xfc: {  	[spmem:s3] =	stream.indirect.scatter.add.f32 [tilespmem:s11], [sflag:$0x7], $0x80, s9, s10, $0xb8;
	[tilespmem:$0x1F500] =	vst v63  }
0xfd: {  	_ =	swait.ge [sflag:s8], $0x2800  }
0xfe: {  	[sflag:s8] =	ssyncset.done $0x0  }
0xff: {  	[sflag:s8] =	ssyncadd.s32 $0xFFFFD800  }
0x100: {  	_ =	swait.ge [sflag:s20], $0x50  }
0x101: {  	[sflag:s20] =	ssyncset.done $0x0  }
0x102: {  	[sflag:s20] =	ssyncadd.s32 $0xFFFFFFB0  }
0x103: {  	_ =	swait.ge [sflag:s21], $0x2800  }
0x104: {  	[sflag:s21] =	ssyncset.done $0x0  }
0x105: {  	[sflag:s21] =	ssyncadd.s32 $0xFFFFD800  }
0x106: {  	[spmem:s3] =	stream.indirect.scatter.add.f32 [tilespmem:s14], [sflag:$0x7], $0x80, s13, s10, $0xb8;
	[tilespmem:$0x1F500] =	vst v63  }
0x107: {  	_ =	swait.ge [sflag:s8], $0x2800  }
0x108: {  	[sflag:s8] =	ssyncset.done $0x0  }
0x109: {  	s29 =	stileid.u32;
	[sflag:s8] =	ssyncadd.s32 $0xFFFFD800  }
0x10a: {  	s0 =	sshll.u32 s29, $0x6;
	[bflag:$0x0] =	sbarrier.arrive $0xFFFF  }
0x10b: {  	s30 =	sshrl.u32 s12, $0x3;
	s0 =	sor.u32 $0x1C07, s0;
	s6 =	rddreg [dreg:$0x9]  }
0x10c: {  	[hbm:s6], [sflag:s0] =	dma.local [spmem:s30], $0x2800  }
0x10d: {  	_ =	swait.ge [sflag:s8], $0x2800  }
0x10e: {  	s28 =	sadd.s32 $0x1, s28;
	s31 =	rddreg [dreg:$0xa]  }
0x10f: {  	p0 =	sne.s32 s28, s31  }
.Ltmp2:
0x110: {  	_ = 	snop;
	(pc) =	sbr.rel @p0 .LBB2_1-.Ltmp2, $3  }
0x111: {  	_ =	sdelay $0x1  }
0x112: {  	[sflag:s8] =	ssyncset.done $0x0  }
0x113: {  	[sflag:s8] =	ssyncadd.s32 $0xFFFFD800  }
0x114: {  	_ =	sfence.sel $0x180000  }
0x115: {  	[bflag:$0x0] =	sbarrier.arrive $0xFFFF  }
0x116: {  	_ =	strace $0x9000004A  }
0x117: {  	s0 =	stileid.u32;
	[bflag:$0x2] =	sbarrier.arrive $0xFFFF  }
0x118: {  	p0 =	sne.s32 s0, $0x0;
	s0 =	rddreg [dreg:$0x3]  }
0x119: {  	s0 =	sadd.s32 @!p0 $0x100000, s0  }
0x11a: {  	[sflag:s0] =	ssyncadd.tile.s32 @!p0 $0x1;
	_ =	shalt  }
.Lfunc_end2:
_tile_overlayer_lowered:
.L_overlay_start_2:
0x11b: {  	(tag) =	ssettag $0x2  }
0x11c: {  	s0 =	rddreg [dreg:$0x0];
	s2 =	stileid.u32  }
0x11d: {  	s1 =	rddreg [dreg:$0x1];
	p0 =	sne.s32 s2, $0x0  }
0x11e: {  	s3 =	rddreg [dreg:$0x2];
	[bflag:$0x3] =	sbarrier.arrive $0xFFFF;
	s2 =	simm.s32 @!p0 $0x1C07  }
0x11f: {  	[timem:s3], [sflag:s2] =	dma.local @!p0 [hbm:s0], s1  }
0x120: {  	s0 =	simm.s32 @!p0 $0x7  }
0x121: {  	_ =	swait.ge @!p0 [sflag:s0], s1  }
0x122: {  	s1 =	ssub.s32 @!p0 $0x0, s1;
	[sflag:s0] =	ssyncset.done @!p0 $0x0  }
0x123: {  	[sflag:s0] =	ssyncadd.s32 @!p0 s1  }
0x124: {  	[bflag:$0x3] =	sbarrier.arrive $0xFFFF  }
0x125: {  	_ =	shalt  }

</sc_bundles>
